<compile_context>
chip_gen: v7x
topology: tpu7x:2x2x1
jax: 0.10.2.dev20260603
libtpu: 0.0.44.dev20260713+nightly
codegen_flags: <defaults>
</compile_context>

<pallas_src>
import functools

import jax
import jax.numpy as jnp
from jax import lax
from jax.experimental import pallas as pl
from jax.experimental.pallas import tpu as pltpu
from jax.experimental.pallas import tpu_sc as plsc

B = 4096
CTX = 20
EMB = 64
LANES = 16

_info = plsc.get_sparse_core_info()
_NC, _NS = _info.num_cores, _info.num_subcores
_NW = _NC * _NS
_BPW = B // _NW


def _sc_gather_mean(xT, emb_table):
    mesh = plsc.VectorSubcoreMesh(core_axis_name="c", subcore_axis_name="s")

    @functools.partial(
        pl.kernel,
        out_type=jax.ShapeDtypeStruct((B, EMB), jnp.float32),
        mesh=mesh,
        compiler_params=pltpu.CompilerParams(use_tc_tiling_on_sc=False),
        scratch_types=[
            pltpu.VMEM((CTX, _BPW), jnp.int32),
            pltpu.VMEM((_BPW, EMB), jnp.float32),
            pltpu.VMEM((_BPW, EMB), jnp.float32),
            pltpu.VMEM((_BPW, EMB), jnp.float32),
            pltpu.SemaphoreType.DMA,
            pltpu.SemaphoreType.DMA,
            pltpu.SemaphoreType.DMA,
        ],
    )
    def sc_kernel(xT_hbm, table_hbm, out_hbm, idx_v, acc_v, buf0, buf1,
                  sem_acc, sem0, sem1):
        wid = lax.axis_index("s") * _NC + lax.axis_index("c")
        base = wid * _BPW
        bufs = (buf0, buf1)
        sems = (sem0, sem1)

        pltpu.sync_copy(xT_hbm.at[:, pl.ds(base, _BPW)], idx_v)

        def add_into_acc(src):
            def row(i, _):
                for k in range(EMB // LANES):
                    sl = (i, pl.ds(k * LANES, LANES))
                    plsc.addupdate(acc_v.at[sl], src[sl])
                return 0
            lax.fori_loop(0, _BPW, row, 0)

        d0 = pltpu.async_copy(table_hbm.at[idx_v.at[0]], acc_v, sem_acc)
        d1 = pltpu.async_copy(table_hbm.at[idx_v.at[1]], bufs[1], sems[1])
        d0.wait()
        prev = d1
        for j in range(2, CTX):
            cur = pltpu.async_copy(table_hbm.at[idx_v.at[j]], bufs[j % 2],
                                   sems[j % 2])
            prev.wait()
            add_into_acc(bufs[(j - 1) % 2])
            prev = cur
        prev.wait()
        add_into_acc(bufs[(CTX - 1) % 2])

        scale = jnp.float32(1.0 / CTX)
        def scale_row(i, _):
            for k in range(EMB // LANES):
                sl = (i, pl.ds(k * LANES, LANES))
                acc_v[sl] = acc_v[sl] * scale
            return 0
        lax.fori_loop(0, _BPW, scale_row, 0)
        pltpu.sync_copy(acc_v, out_hbm.at[pl.ds(base, _BPW)])

    return sc_kernel(xT, emb_table)


_VB = 512


def _tc_matmul_bias(WT, mean, bcol):
    V = WT.shape[1]
    nv = pl.cdiv(V, _VB)

    def mm_body(wT_ref, mean_ref, b_ref, out_ref):
        acc = lax.dot_general(wT_ref[...], mean_ref[...],
                              (((0,), (1,)), ((), ())),
                              preferred_element_type=jnp.float32)
        out_ref[...] = acc + b_ref[...]

    return pl.pallas_call(
        mm_body,
        grid=(nv,),
        in_specs=[
            pl.BlockSpec((EMB, _VB), lambda j: (0, j)),
            pl.BlockSpec((B, EMB), lambda j: (0, 0)),
            pl.BlockSpec((_VB, 1), lambda j: (j, 0)),
        ],
        out_specs=pl.BlockSpec((_VB, B), lambda j: (j, 0)),
        out_shape=jax.ShapeDtypeStruct((V, B), jnp.float32),
        compiler_params=pltpu.CompilerParams(
            dimension_semantics=("arbitrary",),
        ),
    )(WT, mean, bcol)


def kernel(x, emb_table, W, b):
    xT = jnp.transpose(x.astype(jnp.int32))
    mean = _sc_gather_mean(xT, emb_table)
    scoresT = _tc_matmul_bias(W.T, mean, b.reshape(-1, 1))
    return scoresT.T

# --- scband reference (transcript-rebuilt; emitter-appended) ---
"""Pipeline reference for scband-cbow-8486855377128 (READ-ONLY COPY).

The authoritative reference and input builder live on the scoring server;
editing this copy changes nothing except your own understanding.
"""

import jax, jax.numpy as jnp
import numpy as np

VOCAB = 100000
EMB = 64
BATCH = 4096
CTX = 20

def setup_inputs(seed: int = 0) -> dict:
    key = jax.random.key(seed)
    k1, k2, k3 = jax.random.split(key, 3)
    x = jax.random.randint(k1, (BATCH, CTX), 0, VOCAB, dtype=jnp.int64) if jax.config.jax_enable_x64 else jax.random.randint(k1, (BATCH, CTX), 0, VOCAB)
    emb_table = jax.random.normal(k2, (VOCAB, EMB), dtype=jnp.float32) * 0.02
    W = jax.random.normal(k3, (VOCAB, EMB), dtype=jnp.float32) * 0.02
    b = jnp.zeros((VOCAB,), dtype=jnp.float32)
    return {"x": x, "emb_table": emb_table, "W": W, "b": b}

def reference(x, emb_table, W, b):
    # embedding lookup (gather)
    embedded = jnp.take(emb_table, x, axis=0)          # [B, CTX, EMB]
    embedded_mean = jnp.mean(embedded, axis=1)          # [B, EMB]
    scores = embedded_mean @ W.T + b                    # [B, VOCAB]
    return scores

if __name__ == "__main__":
    import jax
    _d = setup_inputs()
    print(jax.jit(kernel)(*tuple(_d.values())))

</pallas_src>

<mosaic_0001>
#map = affine_map<(d0, d1) -> (0, 0)>
module attributes {stable_mosaic.version = 14 : i64} {
  func.func @sc_kernel(%arg0: i32, %arg1: i32, %arg2: memref<20x4096xi32, #tpu.memory_space<hbm>>, %arg3: memref<100000x64xf32, #tpu.memory_space<hbm>>, %arg4: memref<4096x64xf32, #tpu.memory_space<hbm>>, %arg5: memref<20x128xi32, #tpu.memory_space<vmem>>, %arg6: memref<128x64xf32, #tpu.memory_space<vmem>>, %arg7: memref<128x64xf32, #tpu.memory_space<vmem>>, %arg8: memref<128x64xf32, #tpu.memory_space<vmem>>, %arg9: memref<!tpu.dma_semaphore, #tpu.memory_space<semaphore_mem>>, %arg10: memref<!tpu.dma_semaphore, #tpu.memory_space<semaphore_mem>>, %arg11: memref<!tpu.dma_semaphore, #tpu.memory_space<semaphore_mem>>) attributes {dimension_semantics = [#tpu.dimension_semantics<core_parallel>, #tpu.dimension_semantics<subcore_parallel>], iteration_bounds = array<i64: 2, 16>, scalar_prefetch = 0 : i64, scratch_operands = 7 : i64, tpu.core_type = #tpu.core_type<sc_vector_subcore>, window_params = [{transform_indices = #map}, {transform_indices = #map}, {transform_indices = #map}]} {
    %mul3A = arith.constant 2 : i32
    %mul3A_0 = arith.muli %arg1, %mul3A : i32
    %add3A = arith.addi %mul3A_0, %arg0 : i32
    %mul3A_1 = arith.constant 128 : i32
    %mul3A_2 = arith.muli %add3A, %mul3A_1 : i32
    "tpu.region"() ({
      %run_scoped3A = tpu.sem_alloc : memref<!tpu.dma_semaphore, #tpu.memory_space<semaphore_mem>>
      %dma_start3A_421 = arith.constant 0 : i32
      %dma_start3A_422 = tpu.memref_slice %arg2[%dma_start3A_421, %mul3A_2] : memref<20x4096xi32, #tpu.memory_space<hbm>> -> memref<20x128xi32, #tpu.memory_space<hbm>>
      %dma_start3A_423 = arith.constant 0 : i32
      %dma_start3A_424 = tpu.memref_slice %arg2[%dma_start3A_423, %mul3A_2] : memref<20x4096xi32, #tpu.memory_space<hbm>> -> memref<20x128xi32, #tpu.memory_space<hbm>>
      tpu.enqueue_dma source(%dma_start3A_424 : memref<20x128xi32, #tpu.memory_space<hbm>>) target(%arg5 : memref<20x128xi32, #tpu.memory_space<vmem>>) target_semaphore(%run_scoped3A : memref<!tpu.dma_semaphore, #tpu.memory_space<semaphore_mem>>)
      %dma_wait3A_425 = arith.constant 0 : i32
      %dma_wait3A_426 = tpu.memref_slice %arg2[%dma_wait3A_425, %mul3A_2] : memref<20x4096xi32, #tpu.memory_space<hbm>> -> memref<20x128xi32, #tpu.memory_space<hbm>>
      %dma_wait3A_427 = arith.constant 0 : i32
      %dma_wait3A_428 = tpu.memref_slice %arg2[%dma_wait3A_427, %mul3A_2] : memref<20x4096xi32, #tpu.memory_space<hbm>> -> memref<20x128xi32, #tpu.memory_space<hbm>>
      tpu.wait_dma2 semaphore(%run_scoped3A : memref<!tpu.dma_semaphore, #tpu.memory_space<semaphore_mem>>) src(%dma_wait3A_428 : memref<20x128xi32, #tpu.memory_space<hbm>>) dst(%arg5 : memref<20x128xi32, #tpu.memory_space<vmem>>)
      tpu.yield
    }) : () -> ()
    %dma_start3A = arith.constant 0 : i32
    %dma_start3A_3 = arith.constant 0 : i32
    %dma_start3A_4 = tpu.memref_slice %arg5[%dma_start3A, %dma_start3A_3] : memref<20x128xi32, #tpu.memory_space<vmem>> -> memref<1x128xi32, #tpu.memory_space<vmem>>
    %dma_start3A_5 = tpu.memref_squeeze %dma_start3A_4 : memref<1x128xi32, #tpu.memory_space<vmem>> -> memref<128xi32, #tpu.memory_space<vmem>>
    %dma_start3A_6 = arith.constant 0 : i32
    %dma_start3A_7 = arith.constant 0 : i32
    %dma_start3A_8 = tpu.memref_slice %arg3[%dma_start3A_6, %dma_start3A_7] : memref<100000x64xf32, #tpu.memory_space<hbm>> -> memref<100000x64xf32, #tpu.memory_space<hbm>>
    tpu.enqueue_indirect_dma source(%dma_start3A_8 : memref<100000x64xf32, #tpu.memory_space<hbm>>) target(%arg6 : memref<128x64xf32, #tpu.memory_space<vmem>>) offsets(%dma_start3A_5 : memref<128xi32, #tpu.memory_space<vmem>>) semaphore(%arg9 : memref<!tpu.dma_semaphore, #tpu.memory_space<semaphore_mem>>)
    %dma_start3A_9 = arith.constant 1 : i32
    %dma_start3A_10 = arith.constant 0 : i32
    %dma_start3A_11 = tpu.memref_slice %arg5[%dma_start3A_9, %dma_start3A_10] : memref<20x128xi32, #tpu.memory_space<vmem>> -> memref<1x128xi32, #tpu.memory_space<vmem>>
    %dma_start3A_12 = tpu.memref_squeeze %dma_start3A_11 : memref<1x128xi32, #tpu.memory_space<vmem>> -> memref<128xi32, #tpu.memory_space<vmem>>
    %dma_start3A_13 = arith.constant 0 : i32
    %dma_start3A_14 = arith.constant 0 : i32
    %dma_start3A_15 = tpu.memref_slice %arg3[%dma_start3A_13, %dma_start3A_14] : memref<100000x64xf32, #tpu.memory_space<hbm>> -> memref<100000x64xf32, #tpu.memory_space<hbm>>
    tpu.enqueue_indirect_dma source(%dma_start3A_15 : memref<100000x64xf32, #tpu.memory_space<hbm>>) target(%arg8 : memref<128x64xf32, #tpu.memory_space<vmem>>) offsets(%dma_start3A_12 : memref<128xi32, #tpu.memory_space<vmem>>) semaphore(%arg11 : memref<!tpu.dma_semaphore, #tpu.memory_space<semaphore_mem>>)
    %dma_wait3A = arith.constant 0 : i32
    %dma_wait3A_16 = arith.constant 0 : i32
    %dma_wait3A_17 = tpu.memref_slice %arg5[%dma_wait3A, %dma_wait3A_16] : memref<20x128xi32, #tpu.memory_space<vmem>> -> memref<1x128xi32, #tpu.memory_space<vmem>>
    %dma_wait3A_18 = tpu.memref_squeeze %dma_wait3A_17 : memref<1x128xi32, #tpu.memory_space<vmem>> -> memref<128xi32, #tpu.memory_space<vmem>>
    %dma_wait3A_19 = arith.constant 0 : i32
    %dma_wait3A_20 = arith.constant 0 : i32
    %dma_wait3A_21 = tpu.memref_slice %arg3[%dma_wait3A_19, %dma_wait3A_20] : memref<100000x64xf32, #tpu.memory_space<hbm>> -> memref<100000x64xf32, #tpu.memory_space<hbm>>
    tpu.wait_indirect_dma semaphore(%arg9 : memref<!tpu.dma_semaphore, #tpu.memory_space<semaphore_mem>>) src(%dma_wait3A_21 : memref<100000x64xf32, #tpu.memory_space<hbm>>) dst(%arg6 : memref<128x64xf32, #tpu.memory_space<vmem>>)
    %dma_start3A_22 = arith.constant 2 : i32
    %dma_start3A_23 = arith.constant 0 : i32
    %dma_start3A_24 = tpu.memref_slice %arg5[%dma_start3A_22, %dma_start3A_23] : memref<20x128xi32, #tpu.memory_space<vmem>> -> memref<1x128xi32, #tpu.memory_space<vmem>>
    %dma_start3A_25 = tpu.memref_squeeze %dma_start3A_24 : memref<1x128xi32, #tpu.memory_space<vmem>> -> memref<128xi32, #tpu.memory_space<vmem>>
    %dma_start3A_26 = arith.constant 0 : i32
    %dma_start3A_27 = arith.constant 0 : i32
    %dma_start3A_28 = tpu.memref_slice %arg3[%dma_start3A_26, %dma_start3A_27] : memref<100000x64xf32, #tpu.memory_space<hbm>> -> memref<100000x64xf32, #tpu.memory_space<hbm>>
    tpu.enqueue_indirect_dma source(%dma_start3A_28 : memref<100000x64xf32, #tpu.memory_space<hbm>>) target(%arg7 : memref<128x64xf32, #tpu.memory_space<vmem>>) offsets(%dma_start3A_25 : memref<128xi32, #tpu.memory_space<vmem>>) semaphore(%arg10 : memref<!tpu.dma_semaphore, #tpu.memory_space<semaphore_mem>>)
    %dma_wait3A_29 = arith.constant 1 : i32
    %dma_wait3A_30 = arith.constant 0 : i32
    %dma_wait3A_31 = tpu.memref_slice %arg5[%dma_wait3A_29, %dma_wait3A_30] : memref<20x128xi32, #tpu.memory_space<vmem>> -> memref<1x128xi32, #tpu.memory_space<vmem>>
    %dma_wait3A_32 = tpu.memref_squeeze %dma_wait3A_31 : memref<1x128xi32, #tpu.memory_space<vmem>> -> memref<128xi32, #tpu.memory_space<vmem>>
    %dma_wait3A_33 = arith.constant 0 : i32
    %dma_wait3A_34 = arith.constant 0 : i32
    %dma_wait3A_35 = tpu.memref_slice %arg3[%dma_wait3A_33, %dma_wait3A_34] : memref<100000x64xf32, #tpu.memory_space<hbm>> -> memref<100000x64xf32, #tpu.memory_space<hbm>>
    tpu.wait_indirect_dma semaphore(%arg11 : memref<!tpu.dma_semaphore, #tpu.memory_space<semaphore_mem>>) src(%dma_wait3A_35 : memref<100000x64xf32, #tpu.memory_space<hbm>>) dst(%arg8 : memref<128x64xf32, #tpu.memory_space<vmem>>)
    %scan3A = arith.constant 0 : i32
    %scan3A_36 = arith.constant 0 : i32
    %scan3A_37 = arith.constant 128 : i32
    %scan3A_38 = arith.addi %scan3A_36, %scan3A_37 : i32
    %scan3A_39 = arith.constant 1 : i32
    %scan3A_40 = scf.for %scan3A_421 = %scan3A_36 to %scan3A_38 step %scan3A_39 iter_args(%scan3A_422 = %scan3A) -> (i32)  : i32 {
      %get3A = arith.index_cast %scan3A_421 : i32 to index
      %get3A_423 = arith.constant 0 : index
      %get3A_424 = tpu.vector_load %arg8[%get3A, %get3A_423] {strides = array<i32>} : memref<128x64xf32, #tpu.memory_space<vmem>>, vector<1x16xf32>,
      %get3A_425 = vector.shape_cast %get3A_424 : vector<1x16xf32> to vector<16xf32>
      %swap3A = arith.index_cast %scan3A_421 : i32 to index
      %swap3A_426 = arith.constant 0 : index
      %swap3A_427 = tpu.vector_load %arg6[%swap3A, %swap3A_426] {strides = array<i32>} : memref<128x64xf32, #tpu.memory_space<vmem>>, vector<1x16xf32>,
      %swap3A_428 = vector.shape_cast %swap3A_427 : vector<1x16xf32> to vector<16xf32>
      %swap3A_429 = vector.shape_cast %get3A_425 : vector<16xf32> to vector<1x16xf32>
      tpu.vector_store %arg6[%swap3A, %swap3A_426], %swap3A_429 {add = true, strides = array<i32>} : memref<128x64xf32, #tpu.memory_space<vmem>>, vector<1x16xf32>,
      %get3A_430 = arith.index_cast %scan3A_421 : i32 to index
      %get3A_431 = arith.constant 16 : index
      %get3A_432 = tpu.vector_load %arg8[%get3A_430, %get3A_431] {strides = array<i32>} : memref<128x64xf32, #tpu.memory_space<vmem>>, vector<1x16xf32>,
      %get3A_433 = vector.shape_cast %get3A_432 : vector<1x16xf32> to vector<16xf32>
      %swap3A_434 = arith.index_cast %scan3A_421 : i32 to index
      %swap3A_435 = arith.constant 16 : index
      %swap3A_436 = tpu.vector_load %arg6[%swap3A_434, %swap3A_435] {strides = array<i32>} : memref<128x64xf32, #tpu.memory_space<vmem>>, vector<1x16xf32>,
      %swap3A_437 = vector.shape_cast %swap3A_436 : vector<1x16xf32> to vector<16xf32>
      %swap3A_438 = vector.shape_cast %get3A_433 : vector<16xf32> to vector<1x16xf32>
      tpu.vector_store %arg6[%swap3A_434, %swap3A_435], %swap3A_438 {add = true, strides = array<i32>} : memref<128x64xf32, #tpu.memory_space<vmem>>, vector<1x16xf32>,
      %get3A_439 = arith.index_cast %scan3A_421 : i32 to index
      %get3A_440 = arith.constant 32 : index
      %get3A_441 = tpu.vector_load %arg8[%get3A_439, %get3A_440] {strides = array<i32>} : memref<128x64xf32, #tpu.memory_space<vmem>>, vector<1x16xf32>,
      %get3A_442 = vector.shape_cast %get3A_441 : vector<1x16xf32> to vector<16xf32>
      %swap3A_443 = arith.index_cast %scan3A_421 : i32 to index
      %swap3A_444 = arith.constant 32 : index
      %swap3A_445 = tpu.vector_load %arg6[%swap3A_443, %swap3A_444] {strides = array<i32>} : memref<128x64xf32, #tpu.memory_space<vmem>>, vector<1x16xf32>,
      %swap3A_446 = vector.shape_cast %swap3A_445 : vector<1x16xf32> to vector<16xf32>
      %swap3A_447 = vector.shape_cast %get3A_442 : vector<16xf32> to vector<1x16xf32>
      tpu.vector_store %arg6[%swap3A_443, %swap3A_444], %swap3A_447 {add = true, strides = array<i32>} : memref<128x64xf32, #tpu.memory_space<vmem>>, vector<1x16xf32>,
      %get3A_448 = arith.index_cast %scan3A_421 : i32 to index
      %get3A_449 = arith.constant 48 : index
      %get3A_450 = tpu.vector_load %arg8[%get3A_448, %get3A_449] {strides = array<i32>} : memref<128x64xf32, #tpu.memory_space<vmem>>, vector<1x16xf32>,
      %get3A_451 = vector.shape_cast %get3A_450 : vector<1x16xf32> to vector<16xf32>
      %swap3A_452 = arith.index_cast %scan3A_421 : i32 to index
      %swap3A_453 = arith.constant 48 : index
      %swap3A_454 = tpu.vector_load %arg6[%swap3A_452, %swap3A_453] {strides = array<i32>} : memref<128x64xf32, #tpu.memory_space<vmem>>, vector<1x16xf32>,
      %swap3A_455 = vector.shape_cast %swap3A_454 : vector<1x16xf32> to vector<16xf32>
      %swap3A_456 = vector.shape_cast %get3A_451 : vector<16xf32> to vector<1x16xf32>
      tpu.vector_store %arg6[%swap3A_452, %swap3A_453], %swap3A_456 {add = true, strides = array<i32>} : memref<128x64xf32, #tpu.memory_space<vmem>>, vector<1x16xf32>,
      %scan3A_457 = arith.constant 0 : i32
      scf.yield %scan3A_457 : i32
    }
    %scan3A_41 = arith.constant 128 : i32
    %dma_start3A_42 = arith.constant 3 : i32
    %dma_start3A_43 = arith.constant 0 : i32
    %dma_start3A_44 = tpu.memref_slice %arg5[%dma_start3A_42, %dma_start3A_43] : memref<20x128xi32, #tpu.memory_space<vmem>> -> memref<1x128xi32, #tpu.memory_space<vmem>>
    %dma_start3A_45 = tpu.memref_squeeze %dma_start3A_44 : memref<1x128xi32, #tpu.memory_space<vmem>> -> memref<128xi32, #tpu.memory_space<vmem>>
    %dma_start3A_46 = arith.constant 0 : i32
    %dma_start3A_47 = arith.constant 0 : i32
    %dma_start3A_48 = tpu.memref_slice %arg3[%dma_start3A_46, %dma_start3A_47] : memref<100000x64xf32, #tpu.memory_space<hbm>> -> memref<100000x64xf32, #tpu.memory_space<hbm>>
    tpu.enqueue_indirect_dma source(%dma_start3A_48 : memref<100000x64xf32, #tpu.memory_space<hbm>>) target(%arg8 : memref<128x64xf32, #tpu.memory_space<vmem>>) offsets(%dma_start3A_45 : memref<128xi32, #tpu.memory_space<vmem>>) semaphore(%arg11 : memref<!tpu.dma_semaphore, #tpu.memory_space<semaphore_mem>>)
    %dma_wait3A_49 = arith.constant 2 : i32
    %dma_wait3A_50 = arith.constant 0 : i32
    %dma_wait3A_51 = tpu.memref_slice %arg5[%dma_wait3A_49, %dma_wait3A_50] : memref<20x128xi32, #tpu.memory_space<vmem>> -> memref<1x128xi32, #tpu.memory_space<vmem>>
    %dma_wait3A_52 = tpu.memref_squeeze %dma_wait3A_51 : memref<1x128xi32, #tpu.memory_space<vmem>> -> memref<128xi32, #tpu.memory_space<vmem>>
    %dma_wait3A_53 = arith.constant 0 : i32
    %dma_wait3A_54 = arith.constant 0 : i32
    %dma_wait3A_55 = tpu.memref_slice %arg3[%dma_wait3A_53, %dma_wait3A_54] : memref<100000x64xf32, #tpu.memory_space<hbm>> -> memref<100000x64xf32, #tpu.memory_space<hbm>>
    tpu.wait_indirect_dma semaphore(%arg10 : memref<!tpu.dma_semaphore, #tpu.memory_space<semaphore_mem>>) src(%dma_wait3A_55 : memref<100000x64xf32, #tpu.memory_space<hbm>>) dst(%arg7 : memref<128x64xf32, #tpu.memory_space<vmem>>)
    %scan3A_56 = arith.constant 0 : i32
    %scan3A_57 = arith.constant 0 : i32
    %scan3A_58 = arith.constant 128 : i32
    %scan3A_59 = arith.addi %scan3A_57, %scan3A_58 : i32
    %scan3A_60 = arith.constant 1 : i32
    %scan3A_61 = scf.for %scan3A_421 = %scan3A_57 to %scan3A_59 step %scan3A_60 iter_args(%scan3A_422 = %scan3A_56) -> (i32)  : i32 {
      %get3A = arith.index_cast %scan3A_421 : i32 to index
      %get3A_423 = arith.constant 0 : index
      %get3A_424 = tpu.vector_load %arg7[%get3A, %get3A_423] {strides = array<i32>} : memref<128x64xf32, #tpu.memory_space<vmem>>, vector<1x16xf32>,
      %get3A_425 = vector.shape_cast %get3A_424 : vector<1x16xf32> to vector<16xf32>
      %swap3A = arith.index_cast %scan3A_421 : i32 to index
      %swap3A_426 = arith.constant 0 : index
      %swap3A_427 = tpu.vector_load %arg6[%swap3A, %swap3A_426] {strides = array<i32>} : memref<128x64xf32, #tpu.memory_space<vmem>>, vector<1x16xf32>,
      %swap3A_428 = vector.shape_cast %swap3A_427 : vector<1x16xf32> to vector<16xf32>
      %swap3A_429 = vector.shape_cast %get3A_425 : vector<16xf32> to vector<1x16xf32>
      tpu.vector_store %arg6[%swap3A, %swap3A_426], %swap3A_429 {add = true, strides = array<i32>} : memref<128x64xf32, #tpu.memory_space<vmem>>, vector<1x16xf32>,
      %get3A_430 = arith.index_cast %scan3A_421 : i32 to index
      %get3A_431 = arith.constant 16 : index
      %get3A_432 = tpu.vector_load %arg7[%get3A_430, %get3A_431] {strides = array<i32>} : memref<128x64xf32, #tpu.memory_space<vmem>>, vector<1x16xf32>,
      %get3A_433 = vector.shape_cast %get3A_432 : vector<1x16xf32> to vector<16xf32>
      %swap3A_434 = arith.index_cast %scan3A_421 : i32 to index
      %swap3A_435 = arith.constant 16 : index
      %swap3A_436 = tpu.vector_load %arg6[%swap3A_434, %swap3A_435] {strides = array<i32>} : memref<128x64xf32, #tpu.memory_space<vmem>>, vector<1x16xf32>,
      %swap3A_437 = vector.shape_cast %swap3A_436 : vector<1x16xf32> to vector<16xf32>
      %swap3A_438 = vector.shape_cast %get3A_433 : vector<16xf32> to vector<1x16xf32>
      tpu.vector_store %arg6[%swap3A_434, %swap3A_435], %swap3A_438 {add = true, strides = array<i32>} : memref<128x64xf32, #tpu.memory_space<vmem>>, vector<1x16xf32>,
      %get3A_439 = arith.index_cast %scan3A_421 : i32 to index
      %get3A_440 = arith.constant 32 : index
      %get3A_441 = tpu.vector_load %arg7[%get3A_439, %get3A_440] {strides = array<i32>} : memref<128x64xf32, #tpu.memory_space<vmem>>, vector<1x16xf32>,
      %get3A_442 = vector.shape_cast %get3A_441 : vector<1x16xf32> to vector<16xf32>
      %swap3A_443 = arith.index_cast %scan3A_421 : i32 to index
      %swap3A_444 = arith.constant 32 : index
      %swap3A_445 = tpu.vector_load %arg6[%swap3A_443, %swap3A_444] {strides = array<i32>} : memref<128x64xf32, #tpu.memory_space<vmem>>, vector<1x16xf32>,
      %swap3A_446 = vector.shape_cast %swap3A_445 : vector<1x16xf32> to vector<16xf32>
      %swap3A_447 = vector.shape_cast %get3A_442 : vector<16xf32> to vector<1x16xf32>
      tpu.vector_store %arg6[%swap3A_443, %swap3A_444], %swap3A_447 {add = true, strides = array<i32>} : memref<128x64xf32, #tpu.memory_space<vmem>>, vector<1x16xf32>,
      %get3A_448 = arith.index_cast %scan3A_421 : i32 to index
      %get3A_449 = arith.constant 48 : index
      %get3A_450 = tpu.vector_load %arg7[%get3A_448, %get3A_449] {strides = array<i32>} : memref<128x64xf32, #tpu.memory_space<vmem>>, vector<1x16xf32>,
      %get3A_451 = vector.shape_cast %get3A_450 : vector<1x16xf32> to vector<16xf32>
      %swap3A_452 = arith.index_cast %scan3A_421 : i32 to index
      %swap3A_453 = arith.constant 48 : index
      %swap3A_454 = tpu.vector_load %arg6[%swap3A_452, %swap3A_453] {strides = array<i32>} : memref<128x64xf32, #tpu.memory_space<vmem>>, vector<1x16xf32>,
      %swap3A_455 = vector.shape_cast %swap3A_454 : vector<1x16xf32> to vector<16xf32>
      %swap3A_456 = vector.shape_cast %get3A_451 : vector<16xf32> to vector<1x16xf32>
      tpu.vector_store %arg6[%swap3A_452, %swap3A_453], %swap3A_456 {add = true, strides = array<i32>} : memref<128x64xf32, #tpu.memory_space<vmem>>, vector<1x16xf32>,
      %scan3A_457 = arith.constant 0 : i32
      scf.yield %scan3A_457 : i32
    }
    %scan3A_62 = arith.constant 128 : i32
    %dma_start3A_63 = arith.constant 4 : i32
    %dma_start3A_64 = arith.constant 0 : i32
    %dma_start3A_65 = tpu.memref_slice %arg5[%dma_start3A_63, %dma_start3A_64] : memref<20x128xi32, #tpu.memory_space<vmem>> -> memref<1x128xi32, #tpu.memory_space<vmem>>
    %dma_start3A_66 = tpu.memref_squeeze %dma_start3A_65 : memref<1x128xi32, #tpu.memory_space<vmem>> -> memref<128xi32, #tpu.memory_space<vmem>>
    %dma_start3A_67 = arith.constant 0 : i32
    %dma_start3A_68 = arith.constant 0 : i32
    %dma_start3A_69 = tpu.memref_slice %arg3[%dma_start3A_67, %dma_start3A_68] : memref<100000x64xf32, #tpu.memory_space<hbm>> -> memref<100000x64xf32, #tpu.memory_space<hbm>>
    tpu.enqueue_indirect_dma source(%dma_start3A_69 : memref<100000x64xf32, #tpu.memory_space<hbm>>) target(%arg7 : memref<128x64xf32, #tpu.memory_space<vmem>>) offsets(%dma_start3A_66 : memref<128xi32, #tpu.memory_space<vmem>>) semaphore(%arg10 : memref<!tpu.dma_semaphore, #tpu.memory_space<semaphore_mem>>)
    %dma_wait3A_70 = arith.constant 3 : i32
    %dma_wait3A_71 = arith.constant 0 : i32
    %dma_wait3A_72 = tpu.memref_slice %arg5[%dma_wait3A_70, %dma_wait3A_71] : memref<20x128xi32, #tpu.memory_space<vmem>> -> memref<1x128xi32, #tpu.memory_space<vmem>>
    %dma_wait3A_73 = tpu.memref_squeeze %dma_wait3A_72 : memref<1x128xi32, #tpu.memory_space<vmem>> -> memref<128xi32, #tpu.memory_space<vmem>>
    %dma_wait3A_74 = arith.constant 0 : i32
    %dma_wait3A_75 = arith.constant 0 : i32
    %dma_wait3A_76 = tpu.memref_slice %arg3[%dma_wait3A_74, %dma_wait3A_75] : memref<100000x64xf32, #tpu.memory_space<hbm>> -> memref<100000x64xf32, #tpu.memory_space<hbm>>
    tpu.wait_indirect_dma semaphore(%arg11 : memref<!tpu.dma_semaphore, #tpu.memory_space<semaphore_mem>>) src(%dma_wait3A_76 : memref<100000x64xf32, #tpu.memory_space<hbm>>) dst(%arg8 : memref<128x64xf32, #tpu.memory_space<vmem>>)
    %scan3A_77 = arith.constant 0 : i32
    %scan3A_78 = arith.constant 0 : i32
    %scan3A_79 = arith.constant 128 : i32
    %scan3A_80 = arith.addi %scan3A_78, %scan3A_79 : i32
    %scan3A_81 = arith.constant 1 : i32
    %scan3A_82 = scf.for %scan3A_421 = %scan3A_78 to %scan3A_80 step %scan3A_81 iter_args(%scan3A_422 = %scan3A_77) -> (i32)  : i32 {
      %get3A = arith.index_cast %scan3A_421 : i32 to index
      %get3A_423 = arith.constant 0 : index
      %get3A_424 = tpu.vector_load %arg8[%get3A, %get3A_423] {strides = array<i32>} : memref<128x64xf32, #tpu.memory_space<vmem>>, vector<1x16xf32>,
      %get3A_425 = vector.shape_cast %get3A_424 : vector<1x16xf32> to vector<16xf32>
      %swap3A = arith.index_cast %scan3A_421 : i32 to index
      %swap3A_426 = arith.constant 0 : index
      %swap3A_427 = tpu.vector_load %arg6[%swap3A, %swap3A_426] {strides = array<i32>} : memref<128x64xf32, #tpu.memory_space<vmem>>, vector<1x16xf32>,
      %swap3A_428 = vector.shape_cast %swap3A_427 : vector<1x16xf32> to vector<16xf32>
      %swap3A_429 = vector.shape_cast %get3A_425 : vector<16xf32> to vector<1x16xf32>
      tpu.vector_store %arg6[%swap3A, %swap3A_426], %swap3A_429 {add = true, strides = array<i32>} : memref<128x64xf32, #tpu.memory_space<vmem>>, vector<1x16xf32>,
      %get3A_430 = arith.index_cast %scan3A_421 : i32 to index
      %get3A_431 = arith.constant 16 : index
      %get3A_432 = tpu.vector_load %arg8[%get3A_430, %get3A_431] {strides = array<i32>} : memref<128x64xf32, #tpu.memory_space<vmem>>, vector<1x16xf32>,
      %get3A_433 = vector.shape_cast %get3A_432 : vector<1x16xf32> to vector<16xf32>
      %swap3A_434 = arith.index_cast %scan3A_421 : i32 to index
      %swap3A_435 = arith.constant 16 : index
      %swap3A_436 = tpu.vector_load %arg6[%swap3A_434, %swap3A_435] {strides = array<i32>} : memref<128x64xf32, #tpu.memory_space<vmem>>, vector<1x16xf32>,
      %swap3A_437 = vector.shape_cast %swap3A_436 : vector<1x16xf32> to vector<16xf32>
      %swap3A_438 = vector.shape_cast %get3A_433 : vector<16xf32> to vector<1x16xf32>
      tpu.vector_store %arg6[%swap3A_434, %swap3A_435], %swap3A_438 {add = true, strides = array<i32>} : memref<128x64xf32, #tpu.memory_space<vmem>>, vector<1x16xf32>,
      %get3A_439 = arith.index_cast %scan3A_421 : i32 to index
      %get3A_440 = arith.constant 32 : index
      %get3A_441 = tpu.vector_load %arg8[%get3A_439, %get3A_440] {strides = array<i32>} : memref<128x64xf32, #tpu.memory_space<vmem>>, vector<1x16xf32>,
      %get3A_442 = vector.shape_cast %get3A_441 : vector<1x16xf32> to vector<16xf32>
      %swap3A_443 = arith.index_cast %scan3A_421 : i32 to index
      %swap3A_444 = arith.constant 32 : index
      %swap3A_445 = tpu.vector_load %arg6[%swap3A_443, %swap3A_444] {strides = array<i32>} : memref<128x64xf32, #tpu.memory_space<vmem>>, vector<1x16xf32>,
      %swap3A_446 = vector.shape_cast %swap3A_445 : vector<1x16xf32> to vector<16xf32>
      %swap3A_447 = vector.shape_cast %get3A_442 : vector<16xf32> to vector<1x16xf32>
      tpu.vector_store %arg6[%swap3A_443, %swap3A_444], %swap3A_447 {add = true, strides = array<i32>} : memref<128x64xf32, #tpu.memory_space<vmem>>, vector<1x16xf32>,
      %get3A_448 = arith.index_cast %scan3A_421 : i32 to index
      %get3A_449 = arith.constant 48 : index
      %get3A_450 = tpu.vector_load %arg8[%get3A_448, %get3A_449] {strides = array<i32>} : memref<128x64xf32, #tpu.memory_space<vmem>>, vector<1x16xf32>,
      %get3A_451 = vector.shape_cast %get3A_450 : vector<1x16xf32> to vector<16xf32>
      %swap3A_452 = arith.index_cast %scan3A_421 : i32 to index
      %swap3A_453 = arith.constant 48 : index
      %swap3A_454 = tpu.vector_load %arg6[%swap3A_452, %swap3A_453] {strides = array<i32>} : memref<128x64xf32, #tpu.memory_space<vmem>>, vector<1x16xf32>,
      %swap3A_455 = vector.shape_cast %swap3A_454 : vector<1x16xf32> to vector<16xf32>
      %swap3A_456 = vector.shape_cast %get3A_451 : vector<16xf32> to vector<1x16xf32>
      tpu.vector_store %arg6[%swap3A_452, %swap3A_453], %swap3A_456 {add = true, strides = array<i32>} : memref<128x64xf32, #tpu.memory_space<vmem>>, vector<1x16xf32>,
      %scan3A_457 = arith.constant 0 : i32
      scf.yield %scan3A_457 : i32
    }
    %scan3A_83 = arith.constant 128 : i32
    %dma_start3A_84 = arith.constant 5 : i32
    %dma_start3A_85 = arith.constant 0 : i32
    %dma_start3A_86 = tpu.memref_slice %arg5[%dma_start3A_84, %dma_start3A_85] : memref<20x128xi32, #tpu.memory_space<vmem>> -> memref<1x128xi32, #tpu.memory_space<vmem>>
    %dma_start3A_87 = tpu.memref_squeeze %dma_start3A_86 : memref<1x128xi32, #tpu.memory_space<vmem>> -> memref<128xi32, #tpu.memory_space<vmem>>
    %dma_start3A_88 = arith.constant 0 : i32
    %dma_start3A_89 = arith.constant 0 : i32
    %dma_start3A_90 = tpu.memref_slice %arg3[%dma_start3A_88, %dma_start3A_89] : memref<100000x64xf32, #tpu.memory_space<hbm>> -> memref<100000x64xf32, #tpu.memory_space<hbm>>
    tpu.enqueue_indirect_dma source(%dma_start3A_90 : memref<100000x64xf32, #tpu.memory_space<hbm>>) target(%arg8 : memref<128x64xf32, #tpu.memory_space<vmem>>) offsets(%dma_start3A_87 : memref<128xi32, #tpu.memory_space<vmem>>) semaphore(%arg11 : memref<!tpu.dma_semaphore, #tpu.memory_space<semaphore_mem>>)
    %dma_wait3A_91 = arith.constant 4 : i32
    %dma_wait3A_92 = arith.constant 0 : i32
    %dma_wait3A_93 = tpu.memref_slice %arg5[%dma_wait3A_91, %dma_wait3A_92] : memref<20x128xi32, #tpu.memory_space<vmem>> -> memref<1x128xi32, #tpu.memory_space<vmem>>
    %dma_wait3A_94 = tpu.memref_squeeze %dma_wait3A_93 : memref<1x128xi32, #tpu.memory_space<vmem>> -> memref<128xi32, #tpu.memory_space<vmem>>
    %dma_wait3A_95 = arith.constant 0 : i32
    %dma_wait3A_96 = arith.constant 0 : i32
    %dma_wait3A_97 = tpu.memref_slice %arg3[%dma_wait3A_95, %dma_wait3A_96] : memref<100000x64xf32, #tpu.memory_space<hbm>> -> memref<100000x64xf32, #tpu.memory_space<hbm>>
    tpu.wait_indirect_dma semaphore(%arg10 : memref<!tpu.dma_semaphore, #tpu.memory_space<semaphore_mem>>) src(%dma_wait3A_97 : memref<100000x64xf32, #tpu.memory_space<hbm>>) dst(%arg7 : memref<128x64xf32, #tpu.memory_space<vmem>>)
    %scan3A_98 = arith.constant 0 : i32
    %scan3A_99 = arith.constant 0 : i32
    %scan3A_100 = arith.constant 128 : i32
    %scan3A_101 = arith.addi %scan3A_99, %scan3A_100 : i32
    %scan3A_102 = arith.constant 1 : i32
    %scan3A_103 = scf.for %scan3A_421 = %scan3A_99 to %scan3A_101 step %scan3A_102 iter_args(%scan3A_422 = %scan3A_98) -> (i32)  : i32 {
      %get3A = arith.index_cast %scan3A_421 : i32 to index
      %get3A_423 = arith.constant 0 : index
      %get3A_424 = tpu.vector_load %arg7[%get3A, %get3A_423] {strides = array<i32>} : memref<128x64xf32, #tpu.memory_space<vmem>>, vector<1x16xf32>,
      %get3A_425 = vector.shape_cast %get3A_424 : vector<1x16xf32> to vector<16xf32>
      %swap3A = arith.index_cast %scan3A_421 : i32 to index
      %swap3A_426 = arith.constant 0 : index
      %swap3A_427 = tpu.vector_load %arg6[%swap3A, %swap3A_426] {strides = array<i32>} : memref<128x64xf32, #tpu.memory_space<vmem>>, vector<1x16xf32>,
      %swap3A_428 = vector.shape_cast %swap3A_427 : vector<1x16xf32> to vector<16xf32>
      %swap3A_429 = vector.shape_cast %get3A_425 : vector<16xf32> to vector<1x16xf32>
      tpu.vector_store %arg6[%swap3A, %swap3A_426], %swap3A_429 {add = true, strides = array<i32>} : memref<128x64xf32, #tpu.memory_space<vmem>>, vector<1x16xf32>,
      %get3A_430 = arith.index_cast %scan3A_421 : i32 to index
      %get3A_431 = arith.constant 16 : index
      %get3A_432 = tpu.vector_load %arg7[%get3A_430, %get3A_431] {strides = array<i32>} : memref<128x64xf32, #tpu.memory_space<vmem>>, vector<1x16xf32>,
      %get3A_433 = vector.shape_cast %get3A_432 : vector<1x16xf32> to vector<16xf32>
      %swap3A_434 = arith.index_cast %scan3A_421 : i32 to index
      %swap3A_435 = arith.constant 16 : index
      %swap3A_436 = tpu.vector_load %arg6[%swap3A_434, %swap3A_435] {strides = array<i32>} : memref<128x64xf32, #tpu.memory_space<vmem>>, vector<1x16xf32>,
      %swap3A_437 = vector.shape_cast %swap3A_436 : vector<1x16xf32> to vector<16xf32>
      %swap3A_438 = vector.shape_cast %get3A_433 : vector<16xf32> to vector<1x16xf32>
      tpu.vector_store %arg6[%swap3A_434, %swap3A_435], %swap3A_438 {add = true, strides = array<i32>} : memref<128x64xf32, #tpu.memory_space<vmem>>, vector<1x16xf32>,
      %get3A_439 = arith.index_cast %scan3A_421 : i32 to index
      %get3A_440 = arith.constant 32 : index
      %get3A_441 = tpu.vector_load %arg7[%get3A_439, %get3A_440] {strides = array<i32>} : memref<128x64xf32, #tpu.memory_space<vmem>>, vector<1x16xf32>,
      %get3A_442 = vector.shape_cast %get3A_441 : vector<1x16xf32> to vector<16xf32>
      %swap3A_443 = arith.index_cast %scan3A_421 : i32 to index
      %swap3A_444 = arith.constant 32 : index
      %swap3A_445 = tpu.vector_load %arg6[%swap3A_443, %swap3A_444] {strides = array<i32>} : memref<128x64xf32, #tpu.memory_space<vmem>>, vector<1x16xf32>,
      %swap3A_446 = vector.shape_cast %swap3A_445 : vector<1x16xf32> to vector<16xf32>
      %swap3A_447 = vector.shape_cast %get3A_442 : vector<16xf32> to vector<1x16xf32>
      tpu.vector_store %arg6[%swap3A_443, %swap3A_444], %swap3A_447 {add = true, strides = array<i32>} : memref<128x64xf32, #tpu.memory_space<vmem>>, vector<1x16xf32>,
      %get3A_448 = arith.index_cast %scan3A_421 : i32 to index
      %get3A_449 = arith.constant 48 : index
      %get3A_450 = tpu.vector_load %arg7[%get3A_448, %get3A_449] {strides = array<i32>} : memref<128x64xf32, #tpu.memory_space<vmem>>, vector<1x16xf32>,
      %get3A_451 = vector.shape_cast %get3A_450 : vector<1x16xf32> to vector<16xf32>
      %swap3A_452 = arith.index_cast %scan3A_421 : i32 to index
      %swap3A_453 = arith.constant 48 : index
      %swap3A_454 = tpu.vector_load %arg6[%swap3A_452, %swap3A_453] {strides = array<i32>} : memref<128x64xf32, #tpu.memory_space<vmem>>, vector<1x16xf32>,
      %swap3A_455 = vector.shape_cast %swap3A_454 : vector<1x16xf32> to vector<16xf32>
      %swap3A_456 = vector.shape_cast %get3A_451 : vector<16xf32> to vector<1x16xf32>
      tpu.vector_store %arg6[%swap3A_452, %swap3A_453], %swap3A_456 {add = true, strides = array<i32>} : memref<128x64xf32, #tpu.memory_space<vmem>>, vector<1x16xf32>,
      %scan3A_457 = arith.constant 0 : i32
      scf.yield %scan3A_457 : i32
    }
    %scan3A_104 = arith.constant 128 : i32
    %dma_start3A_105 = arith.constant 6 : i32
    %dma_start3A_106 = arith.constant 0 : i32
    %dma_start3A_107 = tpu.memref_slice %arg5[%dma_start3A_105, %dma_start3A_106] : memref<20x128xi32, #tpu.memory_space<vmem>> -> memref<1x128xi32, #tpu.memory_space<vmem>>
    %dma_start3A_108 = tpu.memref_squeeze %dma_start3A_107 : memref<1x128xi32, #tpu.memory_space<vmem>> -> memref<128xi32, #tpu.memory_space<vmem>>
    %dma_start3A_109 = arith.constant 0 : i32
    %dma_start3A_110 = arith.constant 0 : i32
    %dma_start3A_111 = tpu.memref_slice %arg3[%dma_start3A_109, %dma_start3A_110] : memref<100000x64xf32, #tpu.memory_space<hbm>> -> memref<100000x64xf32, #tpu.memory_space<hbm>>
    tpu.enqueue_indirect_dma source(%dma_start3A_111 : memref<100000x64xf32, #tpu.memory_space<hbm>>) target(%arg7 : memref<128x64xf32, #tpu.memory_space<vmem>>) offsets(%dma_start3A_108 : memref<128xi32, #tpu.memory_space<vmem>>) semaphore(%arg10 : memref<!tpu.dma_semaphore, #tpu.memory_space<semaphore_mem>>)
    %dma_wait3A_112 = arith.constant 5 : i32
    %dma_wait3A_113 = arith.constant 0 : i32
    %dma_wait3A_114 = tpu.memref_slice %arg5[%dma_wait3A_112, %dma_wait3A_113] : memref<20x128xi32, #tpu.memory_space<vmem>> -> memref<1x128xi32, #tpu.memory_space<vmem>>
    %dma_wait3A_115 = tpu.memref_squeeze %dma_wait3A_114 : memref<1x128xi32, #tpu.memory_space<vmem>> -> memref<128xi32, #tpu.memory_space<vmem>>
    %dma_wait3A_116 = arith.constant 0 : i32
    %dma_wait3A_117 = arith.constant 0 : i32
    %dma_wait3A_118 = tpu.memref_slice %arg3[%dma_wait3A_116, %dma_wait3A_117] : memref<100000x64xf32, #tpu.memory_space<hbm>> -> memref<100000x64xf32, #tpu.memory_space<hbm>>
    tpu.wait_indirect_dma semaphore(%arg11 : memref<!tpu.dma_semaphore, #tpu.memory_space<semaphore_mem>>) src(%dma_wait3A_118 : memref<100000x64xf32, #tpu.memory_space<hbm>>) dst(%arg8 : memref<128x64xf32, #tpu.memory_space<vmem>>)
    %scan3A_119 = arith.constant 0 : i32
    %scan3A_120 = arith.constant 0 : i32
    %scan3A_121 = arith.constant 128 : i32
    %scan3A_122 = arith.addi %scan3A_120, %scan3A_121 : i32
    %scan3A_123 = arith.constant 1 : i32
    %scan3A_124 = scf.for %scan3A_421 = %scan3A_120 to %scan3A_122 step %scan3A_123 iter_args(%scan3A_422 = %scan3A_119) -> (i32)  : i32 {
      %get3A = arith.index_cast %scan3A_421 : i32 to index
      %get3A_423 = arith.constant 0 : index
      %get3A_424 = tpu.vector_load %arg8[%get3A, %get3A_423] {strides = array<i32>} : memref<128x64xf32, #tpu.memory_space<vmem>>, vector<1x16xf32>,
      %get3A_425 = vector.shape_cast %get3A_424 : vector<1x16xf32> to vector<16xf32>
      %swap3A = arith.index_cast %scan3A_421 : i32 to index
      %swap3A_426 = arith.constant 0 : index
      %swap3A_427 = tpu.vector_load %arg6[%swap3A, %swap3A_426] {strides = array<i32>} : memref<128x64xf32, #tpu.memory_space<vmem>>, vector<1x16xf32>,
      %swap3A_428 = vector.shape_cast %swap3A_427 : vector<1x16xf32> to vector<16xf32>
      %swap3A_429 = vector.shape_cast %get3A_425 : vector<16xf32> to vector<1x16xf32>
      tpu.vector_store %arg6[%swap3A, %swap3A_426], %swap3A_429 {add = true, strides = array<i32>} : memref<128x64xf32, #tpu.memory_space<vmem>>, vector<1x16xf32>,
      %get3A_430 = arith.index_cast %scan3A_421 : i32 to index
      %get3A_431 = arith.constant 16 : index
      %get3A_432 = tpu.vector_load %arg8[%get3A_430, %get3A_431] {strides = array<i32>} : memref<128x64xf32, #tpu.memory_space<vmem>>, vector<1x16xf32>,
      %get3A_433 = vector.shape_cast %get3A_432 : vector<1x16xf32> to vector<16xf32>
      %swap3A_434 = arith.index_cast %scan3A_421 : i32 to index
      %swap3A_435 = arith.constant 16 : index
      %swap3A_436 = tpu.vector_load %arg6[%swap3A_434, %swap3A_435] {strides = array<i32>} : memref<128x64xf32, #tpu.memory_space<vmem>>, vector<1x16xf32>,
      %swap3A_437 = vector.shape_cast %swap3A_436 : vector<1x16xf32> to vector<16xf32>
      %swap3A_438 = vector.shape_cast %get3A_433 : vector<16xf32> to vector<1x16xf32>
      tpu.vector_store %arg6[%swap3A_434, %swap3A_435], %swap3A_438 {add = true, strides = array<i32>} : memref<128x64xf32, #tpu.memory_space<vmem>>, vector<1x16xf32>,
      %get3A_439 = arith.index_cast %scan3A_421 : i32 to index
      %get3A_440 = arith.constant 32 : index
      %get3A_441 = tpu.vector_load %arg8[%get3A_439, %get3A_440] {strides = array<i32>} : memref<128x64xf32, #tpu.memory_space<vmem>>, vector<1x16xf32>,
      %get3A_442 = vector.shape_cast %get3A_441 : vector<1x16xf32> to vector<16xf32>
      %swap3A_443 = arith.index_cast %scan3A_421 : i32 to index
      %swap3A_444 = arith.constant 32 : index
      %swap3A_445 = tpu.vector_load %arg6[%swap3A_443, %swap3A_444] {strides = array<i32>} : memref<128x64xf32, #tpu.memory_space<vmem>>, vector<1x16xf32>,
      %swap3A_446 = vector.shape_cast %swap3A_445 : vector<1x16xf32> to vector<16xf32>
      %swap3A_447 = vector.shape_cast %get3A_442 : vector<16xf32> to vector<1x16xf32>
      tpu.vector_store %arg6[%swap3A_443, %swap3A_444], %swap3A_447 {add = true, strides = array<i32>} : memref<128x64xf32, #tpu.memory_space<vmem>>, vector<1x16xf32>,
      %get3A_448 = arith.index_cast %scan3A_421 : i32 to index
      %get3A_449 = arith.constant 48 : index
      %get3A_450 = tpu.vector_load %arg8[%get3A_448, %get3A_449] {strides = array<i32>} : memref<128x64xf32, #tpu.memory_space<vmem>>, vector<1x16xf32>,
      %get3A_451 = vector.shape_cast %get3A_450 : vector<1x16xf32> to vector<16xf32>
      %swap3A_452 = arith.index_cast %scan3A_421 : i32 to index
      %swap3A_453 = arith.constant 48 : index
      %swap3A_454 = tpu.vector_load %arg6[%swap3A_452, %swap3A_453] {strides = array<i32>} : memref<128x64xf32, #tpu.memory_space<vmem>>, vector<1x16xf32>,
      %swap3A_455 = vector.shape_cast %swap3A_454 : vector<1x16xf32> to vector<16xf32>
      %swap3A_456 = vector.shape_cast %get3A_451 : vector<16xf32> to vector<1x16xf32>
      tpu.vector_store %arg6[%swap3A_452, %swap3A_453], %swap3A_456 {add = true, strides = array<i32>} : memref<128x64xf32, #tpu.memory_space<vmem>>, vector<1x16xf32>,
      %scan3A_457 = arith.constant 0 : i32
      scf.yield %scan3A_457 : i32
    }
    %scan3A_125 = arith.constant 128 : i32
    %dma_start3A_126 = arith.constant 7 : i32
    %dma_start3A_127 = arith.constant 0 : i32
    %dma_start3A_128 = tpu.memref_slice %arg5[%dma_start3A_126, %dma_start3A_127] : memref<20x128xi32, #tpu.memory_space<vmem>> -> memref<1x128xi32, #tpu.memory_space<vmem>>
    %dma_start3A_129 = tpu.memref_squeeze %dma_start3A_128 : memref<1x128xi32, #tpu.memory_space<vmem>> -> memref<128xi32, #tpu.memory_space<vmem>>
    %dma_start3A_130 = arith.constant 0 : i32
    %dma_start3A_131 = arith.constant 0 : i32
    %dma_start3A_132 = tpu.memref_slice %arg3[%dma_start3A_130, %dma_start3A_131] : memref<100000x64xf32, #tpu.memory_space<hbm>> -> memref<100000x64xf32, #tpu.memory_space<hbm>>
    tpu.enqueue_indirect_dma source(%dma_start3A_132 : memref<100000x64xf32, #tpu.memory_space<hbm>>) target(%arg8 : memref<128x64xf32, #tpu.memory_space<vmem>>) offsets(%dma_start3A_129 : memref<128xi32, #tpu.memory_space<vmem>>) semaphore(%arg11 : memref<!tpu.dma_semaphore, #tpu.memory_space<semaphore_mem>>)
    %dma_wait3A_133 = arith.constant 6 : i32
    %dma_wait3A_134 = arith.constant 0 : i32
    %dma_wait3A_135 = tpu.memref_slice %arg5[%dma_wait3A_133, %dma_wait3A_134] : memref<20x128xi32, #tpu.memory_space<vmem>> -> memref<1x128xi32, #tpu.memory_space<vmem>>
    %dma_wait3A_136 = tpu.memref_squeeze %dma_wait3A_135 : memref<1x128xi32, #tpu.memory_space<vmem>> -> memref<128xi32, #tpu.memory_space<vmem>>
    %dma_wait3A_137 = arith.constant 0 : i32
    %dma_wait3A_138 = arith.constant 0 : i32
    %dma_wait3A_139 = tpu.memref_slice %arg3[%dma_wait3A_137, %dma_wait3A_138] : memref<100000x64xf32, #tpu.memory_space<hbm>> -> memref<100000x64xf32, #tpu.memory_space<hbm>>
    tpu.wait_indirect_dma semaphore(%arg10 : memref<!tpu.dma_semaphore, #tpu.memory_space<semaphore_mem>>) src(%dma_wait3A_139 : memref<100000x64xf32, #tpu.memory_space<hbm>>) dst(%arg7 : memref<128x64xf32, #tpu.memory_space<vmem>>)
    %scan3A_140 = arith.constant 0 : i32
    %scan3A_141 = arith.constant 0 : i32
    %scan3A_142 = arith.constant 128 : i32
    %scan3A_143 = arith.addi %scan3A_141, %scan3A_142 : i32
    %scan3A_144 = arith.constant 1 : i32
    %scan3A_145 = scf.for %scan3A_421 = %scan3A_141 to %scan3A_143 step %scan3A_144 iter_args(%scan3A_422 = %scan3A_140) -> (i32)  : i32 {
      %get3A = arith.index_cast %scan3A_421 : i32 to index
      %get3A_423 = arith.constant 0 : index
      %get3A_424 = tpu.vector_load %arg7[%get3A, %get3A_423] {strides = array<i32>} : memref<128x64xf32, #tpu.memory_space<vmem>>, vector<1x16xf32>,
      %get3A_425 = vector.shape_cast %get3A_424 : vector<1x16xf32> to vector<16xf32>
      %swap3A = arith.index_cast %scan3A_421 : i32 to index
      %swap3A_426 = arith.constant 0 : index
      %swap3A_427 = tpu.vector_load %arg6[%swap3A, %swap3A_426] {strides = array<i32>} : memref<128x64xf32, #tpu.memory_space<vmem>>, vector<1x16xf32>,
      %swap3A_428 = vector.shape_cast %swap3A_427 : vector<1x16xf32> to vector<16xf32>
      %swap3A_429 = vector.shape_cast %get3A_425 : vector<16xf32> to vector<1x16xf32>
      tpu.vector_store %arg6[%swap3A, %swap3A_426], %swap3A_429 {add = true, strides = array<i32>} : memref<128x64xf32, #tpu.memory_space<vmem>>, vector<1x16xf32>,
      %get3A_430 = arith.index_cast %scan3A_421 : i32 to index
      %get3A_431 = arith.constant 16 : index
      %get3A_432 = tpu.vector_load %arg7[%get3A_430, %get3A_431] {strides = array<i32>} : memref<128x64xf32, #tpu.memory_space<vmem>>, vector<1x16xf32>,
      %get3A_433 = vector.shape_cast %get3A_432 : vector<1x16xf32> to vector<16xf32>
      %swap3A_434 = arith.index_cast %scan3A_421 : i32 to index
      %swap3A_435 = arith.constant 16 : index
      %swap3A_436 = tpu.vector_load %arg6[%swap3A_434, %swap3A_435] {strides = array<i32>} : memref<128x64xf32, #tpu.memory_space<vmem>>, vector<1x16xf32>,
      %swap3A_437 = vector.shape_cast %swap3A_436 : vector<1x16xf32> to vector<16xf32>
      %swap3A_438 = vector.shape_cast %get3A_433 : vector<16xf32> to vector<1x16xf32>
      tpu.vector_store %arg6[%swap3A_434, %swap3A_435], %swap3A_438 {add = true, strides = array<i32>} : memref<128x64xf32, #tpu.memory_space<vmem>>, vector<1x16xf32>,
      %get3A_439 = arith.index_cast %scan3A_421 : i32 to index
      %get3A_440 = arith.constant 32 : index
      %get3A_441 = tpu.vector_load %arg7[%get3A_439, %get3A_440] {strides = array<i32>} : memref<128x64xf32, #tpu.memory_space<vmem>>, vector<1x16xf32>,
      %get3A_442 = vector.shape_cast %get3A_441 : vector<1x16xf32> to vector<16xf32>
      %swap3A_443 = arith.index_cast %scan3A_421 : i32 to index
      %swap3A_444 = arith.constant 32 : index
      %swap3A_445 = tpu.vector_load %arg6[%swap3A_443, %swap3A_444] {strides = array<i32>} : memref<128x64xf32, #tpu.memory_space<vmem>>, vector<1x16xf32>,
      %swap3A_446 = vector.shape_cast %swap3A_445 : vector<1x16xf32> to vector<16xf32>
      %swap3A_447 = vector.shape_cast %get3A_442 : vector<16xf32> to vector<1x16xf32>
      tpu.vector_store %arg6[%swap3A_443, %swap3A_444], %swap3A_447 {add = true, strides = array<i32>} : memref<128x64xf32, #tpu.memory_space<vmem>>, vector<1x16xf32>,
      %get3A_448 = arith.index_cast %scan3A_421 : i32 to index
      %get3A_449 = arith.constant 48 : index
      %get3A_450 = tpu.vector_load %arg7[%get3A_448, %get3A_449] {strides = array<i32>} : memref<128x64xf32, #tpu.memory_space<vmem>>, vector<1x16xf32>,
      %get3A_451 = vector.shape_cast %get3A_450 : vector<1x16xf32> to vector<16xf32>
      %swap3A_452 = arith.index_cast %scan3A_421 : i32 to index
      %swap3A_453 = arith.constant 48 : index
      %swap3A_454 = tpu.vector_load %arg6[%swap3A_452, %swap3A_453] {strides = array<i32>} : memref<128x64xf32, #tpu.memory_space<vmem>>, vector<1x16xf32>,
      %swap3A_455 = vector.shape_cast %swap3A_454 : vector<1x16xf32> to vector<16xf32>
      %swap3A_456 = vector.shape_cast %get3A_451 : vector<16xf32> to vector<1x16xf32>
      tpu.vector_store %arg6[%swap3A_452, %swap3A_453], %swap3A_456 {add = true, strides = array<i32>} : memref<128x64xf32, #tpu.memory_space<vmem>>, vector<1x16xf32>,
      %scan3A_457 = arith.constant 0 : i32
      scf.yield %scan3A_457 : i32
    }
    %scan3A_146 = arith.constant 128 : i32
    %dma_start3A_147 = arith.constant 8 : i32
    %dma_start3A_148 = arith.constant 0 : i32
    %dma_start3A_149 = tpu.memref_slice %arg5[%dma_start3A_147, %dma_start3A_148] : memref<20x128xi32, #tpu.memory_space<vmem>> -> memref<1x128xi32, #tpu.memory_space<vmem>>
    %dma_start3A_150 = tpu.memref_squeeze %dma_start3A_149 : memref<1x128xi32, #tpu.memory_space<vmem>> -> memref<128xi32, #tpu.memory_space<vmem>>
    %dma_start3A_151 = arith.constant 0 : i32
    %dma_start3A_152 = arith.constant 0 : i32
    %dma_start3A_153 = tpu.memref_slice %arg3[%dma_start3A_151, %dma_start3A_152] : memref<100000x64xf32, #tpu.memory_space<hbm>> -> memref<100000x64xf32, #tpu.memory_space<hbm>>
    tpu.enqueue_indirect_dma source(%dma_start3A_153 : memref<100000x64xf32, #tpu.memory_space<hbm>>) target(%arg7 : memref<128x64xf32, #tpu.memory_space<vmem>>) offsets(%dma_start3A_150 : memref<128xi32, #tpu.memory_space<vmem>>) semaphore(%arg10 : memref<!tpu.dma_semaphore, #tpu.memory_space<semaphore_mem>>)
    %dma_wait3A_154 = arith.constant 7 : i32
    %dma_wait3A_155 = arith.constant 0 : i32
    %dma_wait3A_156 = tpu.memref_slice %arg5[%dma_wait3A_154, %dma_wait3A_155] : memref<20x128xi32, #tpu.memory_space<vmem>> -> memref<1x128xi32, #tpu.memory_space<vmem>>
    %dma_wait3A_157 = tpu.memref_squeeze %dma_wait3A_156 : memref<1x128xi32, #tpu.memory_space<vmem>> -> memref<128xi32, #tpu.memory_space<vmem>>
    %dma_wait3A_158 = arith.constant 0 : i32
    %dma_wait3A_159 = arith.constant 0 : i32
    %dma_wait3A_160 = tpu.memref_slice %arg3[%dma_wait3A_158, %dma_wait3A_159] : memref<100000x64xf32, #tpu.memory_space<hbm>> -> memref<100000x64xf32, #tpu.memory_space<hbm>>
    tpu.wait_indirect_dma semaphore(%arg11 : memref<!tpu.dma_semaphore, #tpu.memory_space<semaphore_mem>>) src(%dma_wait3A_160 : memref<100000x64xf32, #tpu.memory_space<hbm>>) dst(%arg8 : memref<128x64xf32, #tpu.memory_space<vmem>>)
    %scan3A_161 = arith.constant 0 : i32
    %scan3A_162 = arith.constant 0 : i32
    %scan3A_163 = arith.constant 128 : i32
    %scan3A_164 = arith.addi %scan3A_162, %scan3A_163 : i32
    %scan3A_165 = arith.constant 1 : i32
    %scan3A_166 = scf.for %scan3A_421 = %scan3A_162 to %scan3A_164 step %scan3A_165 iter_args(%scan3A_422 = %scan3A_161) -> (i32)  : i32 {
      %get3A = arith.index_cast %scan3A_421 : i32 to index
      %get3A_423 = arith.constant 0 : index
      %get3A_424 = tpu.vector_load %arg8[%get3A, %get3A_423] {strides = array<i32>} : memref<128x64xf32, #tpu.memory_space<vmem>>, vector<1x16xf32>,
      %get3A_425 = vector.shape_cast %get3A_424 : vector<1x16xf32> to vector<16xf32>
      %swap3A = arith.index_cast %scan3A_421 : i32 to index
      %swap3A_426 = arith.constant 0 : index
      %swap3A_427 = tpu.vector_load %arg6[%swap3A, %swap3A_426] {strides = array<i32>} : memref<128x64xf32, #tpu.memory_space<vmem>>, vector<1x16xf32>,
      %swap3A_428 = vector.shape_cast %swap3A_427 : vector<1x16xf32> to vector<16xf32>
      %swap3A_429 = vector.shape_cast %get3A_425 : vector<16xf32> to vector<1x16xf32>
      tpu.vector_store %arg6[%swap3A, %swap3A_426], %swap3A_429 {add = true, strides = array<i32>} : memref<128x64xf32, #tpu.memory_space<vmem>>, vector<1x16xf32>,
      %get3A_430 = arith.index_cast %scan3A_421 : i32 to index
      %get3A_431 = arith.constant 16 : index
      %get3A_432 = tpu.vector_load %arg8[%get3A_430, %get3A_431] {strides = array<i32>} : memref<128x64xf32, #tpu.memory_space<vmem>>, vector<1x16xf32>,
      %get3A_433 = vector.shape_cast %get3A_432 : vector<1x16xf32> to vector<16xf32>
      %swap3A_434 = arith.index_cast %scan3A_421 : i32 to index
      %swap3A_435 = arith.constant 16 : index
      %swap3A_436 = tpu.vector_load %arg6[%swap3A_434, %swap3A_435] {strides = array<i32>} : memref<128x64xf32, #tpu.memory_space<vmem>>, vector<1x16xf32>,
      %swap3A_437 = vector.shape_cast %swap3A_436 : vector<1x16xf32> to vector<16xf32>
      %swap3A_438 = vector.shape_cast %get3A_433 : vector<16xf32> to vector<1x16xf32>
      tpu.vector_store %arg6[%swap3A_434, %swap3A_435], %swap3A_438 {add = true, strides = array<i32>} : memref<128x64xf32, #tpu.memory_space<vmem>>, vector<1x16xf32>,
      %get3A_439 = arith.index_cast %scan3A_421 : i32 to index
      %get3A_440 = arith.constant 32 : index
      %get3A_441 = tpu.vector_load %arg8[%get3A_439, %get3A_440] {strides = array<i32>} : memref<128x64xf32, #tpu.memory_space<vmem>>, vector<1x16xf32>,
      %get3A_442 = vector.shape_cast %get3A_441 : vector<1x16xf32> to vector<16xf32>
      %swap3A_443 = arith.index_cast %scan3A_421 : i32 to index
      %swap3A_444 = arith.constant 32 : index
      %swap3A_445 = tpu.vector_load %arg6[%swap3A_443, %swap3A_444] {strides = array<i32>} : memref<128x64xf32, #tpu.memory_space<vmem>>, vector<1x16xf32>,
      %swap3A_446 = vector.shape_cast %swap3A_445 : vector<1x16xf32> to vector<16xf32>
      %swap3A_447 = vector.shape_cast %get3A_442 : vector<16xf32> to vector<1x16xf32>
      tpu.vector_store %arg6[%swap3A_443, %swap3A_444], %swap3A_447 {add = true, strides = array<i32>} : memref<128x64xf32, #tpu.memory_space<vmem>>, vector<1x16xf32>,
      %get3A_448 = arith.index_cast %scan3A_421 : i32 to index
      %get3A_449 = arith.constant 48 : index
      %get3A_450 = tpu.vector_load %arg8[%get3A_448, %get3A_449] {strides = array<i32>} : memref<128x64xf32, #tpu.memory_space<vmem>>, vector<1x16xf32>,
      %get3A_451 = vector.shape_cast %get3A_450 : vector<1x16xf32> to vector<16xf32>
      %swap3A_452 = arith.index_cast %scan3A_421 : i32 to index
      %swap3A_453 = arith.constant 48 : index
      %swap3A_454 = tpu.vector_load %arg6[%swap3A_452, %swap3A_453] {strides = array<i32>} : memref<128x64xf32, #tpu.memory_space<vmem>>, vector<1x16xf32>,
      %swap3A_455 = vector.shape_cast %swap3A_454 : vector<1x16xf32> to vector<16xf32>
      %swap3A_456 = vector.shape_cast %get3A_451 : vector<16xf32> to vector<1x16xf32>
      tpu.vector_store %arg6[%swap3A_452, %swap3A_453], %swap3A_456 {add = true, strides = array<i32>} : memref<128x64xf32, #tpu.memory_space<vmem>>, vector<1x16xf32>,
      %scan3A_457 = arith.constant 0 : i32
      scf.yield %scan3A_457 : i32
    }
    %scan3A_167 = arith.constant 128 : i32
    %dma_start3A_168 = arith.constant 9 : i32
    %dma_start3A_169 = arith.constant 0 : i32
    %dma_start3A_170 = tpu.memref_slice %arg5[%dma_start3A_168, %dma_start3A_169] : memref<20x128xi32, #tpu.memory_space<vmem>> -> memref<1x128xi32, #tpu.memory_space<vmem>>
    %dma_start3A_171 = tpu.memref_squeeze %dma_start3A_170 : memref<1x128xi32, #tpu.memory_space<vmem>> -> memref<128xi32, #tpu.memory_space<vmem>>
    %dma_start3A_172 = arith.constant 0 : i32
    %dma_start3A_173 = arith.constant 0 : i32
    %dma_start3A_174 = tpu.memref_slice %arg3[%dma_start3A_172, %dma_start3A_173] : memref<100000x64xf32, #tpu.memory_space<hbm>> -> memref<100000x64xf32, #tpu.memory_space<hbm>>
    tpu.enqueue_indirect_dma source(%dma_start3A_174 : memref<100000x64xf32, #tpu.memory_space<hbm>>) target(%arg8 : memref<128x64xf32, #tpu.memory_space<vmem>>) offsets(%dma_start3A_171 : memref<128xi32, #tpu.memory_space<vmem>>) semaphore(%arg11 : memref<!tpu.dma_semaphore, #tpu.memory_space<semaphore_mem>>)
    %dma_wait3A_175 = arith.constant 8 : i32
    %dma_wait3A_176 = arith.constant 0 : i32
    %dma_wait3A_177 = tpu.memref_slice %arg5[%dma_wait3A_175, %dma_wait3A_176] : memref<20x128xi32, #tpu.memory_space<vmem>> -> memref<1x128xi32, #tpu.memory_space<vmem>>
    %dma_wait3A_178 = tpu.memref_squeeze %dma_wait3A_177 : memref<1x128xi32, #tpu.memory_space<vmem>> -> memref<128xi32, #tpu.memory_space<vmem>>
    %dma_wait3A_179 = arith.constant 0 : i32
    %dma_wait3A_180 = arith.constant 0 : i32
    %dma_wait3A_181 = tpu.memref_slice %arg3[%dma_wait3A_179, %dma_wait3A_180] : memref<100000x64xf32, #tpu.memory_space<hbm>> -> memref<100000x64xf32, #tpu.memory_space<hbm>>
    tpu.wait_indirect_dma semaphore(%arg10 : memref<!tpu.dma_semaphore, #tpu.memory_space<semaphore_mem>>) src(%dma_wait3A_181 : memref<100000x64xf32, #tpu.memory_space<hbm>>) dst(%arg7 : memref<128x64xf32, #tpu.memory_space<vmem>>)
    %scan3A_182 = arith.constant 0 : i32
    %scan3A_183 = arith.constant 0 : i32
    %scan3A_184 = arith.constant 128 : i32
    %scan3A_185 = arith.addi %scan3A_183, %scan3A_184 : i32
    %scan3A_186 = arith.constant 1 : i32
    %scan3A_187 = scf.for %scan3A_421 = %scan3A_183 to %scan3A_185 step %scan3A_186 iter_args(%scan3A_422 = %scan3A_182) -> (i32)  : i32 {
      %get3A = arith.index_cast %scan3A_421 : i32 to index
      %get3A_423 = arith.constant 0 : index
      %get3A_424 = tpu.vector_load %arg7[%get3A, %get3A_423] {strides = array<i32>} : memref<128x64xf32, #tpu.memory_space<vmem>>, vector<1x16xf32>,
      %get3A_425 = vector.shape_cast %get3A_424 : vector<1x16xf32> to vector<16xf32>
      %swap3A = arith.index_cast %scan3A_421 : i32 to index
      %swap3A_426 = arith.constant 0 : index
      %swap3A_427 = tpu.vector_load %arg6[%swap3A, %swap3A_426] {strides = array<i32>} : memref<128x64xf32, #tpu.memory_space<vmem>>, vector<1x16xf32>,
      %swap3A_428 = vector.shape_cast %swap3A_427 : vector<1x16xf32> to vector<16xf32>
      %swap3A_429 = vector.shape_cast %get3A_425 : vector<16xf32> to vector<1x16xf32>
      tpu.vector_store %arg6[%swap3A, %swap3A_426], %swap3A_429 {add = true, strides = array<i32>} : memref<128x64xf32, #tpu.memory_space<vmem>>, vector<1x16xf32>,
      %get3A_430 = arith.index_cast %scan3A_421 : i32 to index
      %get3A_431 = arith.constant 16 : index
      %get3A_432 = tpu.vector_load %arg7[%get3A_430, %get3A_431] {strides = array<i32>} : memref<128x64xf32, #tpu.memory_space<vmem>>, vector<1x16xf32>,
      %get3A_433 = vector.shape_cast %get3A_432 : vector<1x16xf32> to vector<16xf32>
      %swap3A_434 = arith.index_cast %scan3A_421 : i32 to index
      %swap3A_435 = arith.constant 16 : index
      %swap3A_436 = tpu.vector_load %arg6[%swap3A_434, %swap3A_435] {strides = array<i32>} : memref<128x64xf32, #tpu.memory_space<vmem>>, vector<1x16xf32>,
      %swap3A_437 = vector.shape_cast %swap3A_436 : vector<1x16xf32> to vector<16xf32>
      %swap3A_438 = vector.shape_cast %get3A_433 : vector<16xf32> to vector<1x16xf32>
      tpu.vector_store %arg6[%swap3A_434, %swap3A_435], %swap3A_438 {add = true, strides = array<i32>} : memref<128x64xf32, #tpu.memory_space<vmem>>, vector<1x16xf32>,
      %get3A_439 = arith.index_cast %scan3A_421 : i32 to index
      %get3A_440 = arith.constant 32 : index
      %get3A_441 = tpu.vector_load %arg7[%get3A_439, %get3A_440] {strides = array<i32>} : memref<128x64xf32, #tpu.memory_space<vmem>>, vector<1x16xf32>,
      %get3A_442 = vector.shape_cast %get3A_441 : vector<1x16xf32> to vector<16xf32>
      %swap3A_443 = arith.index_cast %scan3A_421 : i32 to index
      %swap3A_444 = arith.constant 32 : index
      %swap3A_445 = tpu.vector_load %arg6[%swap3A_443, %swap3A_444] {strides = array<i32>} : memref<128x64xf32, #tpu.memory_space<vmem>>, vector<1x16xf32>,
      %swap3A_446 = vector.shape_cast %swap3A_445 : vector<1x16xf32> to vector<16xf32>
      %swap3A_447 = vector.shape_cast %get3A_442 : vector<16xf32> to vector<1x16xf32>
      tpu.vector_store %arg6[%swap3A_443, %swap3A_444], %swap3A_447 {add = true, strides = array<i32>} : memref<128x64xf32, #tpu.memory_space<vmem>>, vector<1x16xf32>,
      %get3A_448 = arith.index_cast %scan3A_421 : i32 to index
      %get3A_449 = arith.constant 48 : index
      %get3A_450 = tpu.vector_load %arg7[%get3A_448, %get3A_449] {strides = array<i32>} : memref<128x64xf32, #tpu.memory_space<vmem>>, vector<1x16xf32>,
      %get3A_451 = vector.shape_cast %get3A_450 : vector<1x16xf32> to vector<16xf32>
      %swap3A_452 = arith.index_cast %scan3A_421 : i32 to index
      %swap3A_453 = arith.constant 48 : index
      %swap3A_454 = tpu.vector_load %arg6[%swap3A_452, %swap3A_453] {strides = array<i32>} : memref<128x64xf32, #tpu.memory_space<vmem>>, vector<1x16xf32>,
      %swap3A_455 = vector.shape_cast %swap3A_454 : vector<1x16xf32> to vector<16xf32>
      %swap3A_456 = vector.shape_cast %get3A_451 : vector<16xf32> to vector<1x16xf32>
      tpu.vector_store %arg6[%swap3A_452, %swap3A_453], %swap3A_456 {add = true, strides = array<i32>} : memref<128x64xf32, #tpu.memory_space<vmem>>, vector<1x16xf32>,
      %scan3A_457 = arith.constant 0 : i32
      scf.yield %scan3A_457 : i32
    }
    %scan3A_188 = arith.constant 128 : i32
    %dma_start3A_189 = arith.constant 10 : i32
    %dma_start3A_190 = arith.constant 0 : i32
    %dma_start3A_191 = tpu.memref_slice %arg5[%dma_start3A_189, %dma_start3A_190] : memref<20x128xi32, #tpu.memory_space<vmem>> -> memref<1x128xi32, #tpu.memory_space<vmem>>
    %dma_start3A_192 = tpu.memref_squeeze %dma_start3A_191 : memref<1x128xi32, #tpu.memory_space<vmem>> -> memref<128xi32, #tpu.memory_space<vmem>>
    %dma_start3A_193 = arith.constant 0 : i32
    %dma_start3A_194 = arith.constant 0 : i32
    %dma_start3A_195 = tpu.memref_slice %arg3[%dma_start3A_193, %dma_start3A_194] : memref<100000x64xf32, #tpu.memory_space<hbm>> -> memref<100000x64xf32, #tpu.memory_space<hbm>>
    tpu.enqueue_indirect_dma source(%dma_start3A_195 : memref<100000x64xf32, #tpu.memory_space<hbm>>) target(%arg7 : memref<128x64xf32, #tpu.memory_space<vmem>>) offsets(%dma_start3A_192 : memref<128xi32, #tpu.memory_space<vmem>>) semaphore(%arg10 : memref<!tpu.dma_semaphore, #tpu.memory_space<semaphore_mem>>)
    %dma_wait3A_196 = arith.constant 9 : i32
    %dma_wait3A_197 = arith.constant 0 : i32
    %dma_wait3A_198 = tpu.memref_slice %arg5[%dma_wait3A_196, %dma_wait3A_197] : memref<20x128xi32, #tpu.memory_space<vmem>> -> memref<1x128xi32, #tpu.memory_space<vmem>>
    %dma_wait3A_199 = tpu.memref_squeeze %dma_wait3A_198 : memref<1x128xi32, #tpu.memory_space<vmem>> -> memref<128xi32, #tpu.memory_space<vmem>>
    %dma_wait3A_200 = arith.constant 0 : i32
    %dma_wait3A_201 = arith.constant 0 : i32
    %dma_wait3A_202 = tpu.memref_slice %arg3[%dma_wait3A_200, %dma_wait3A_201] : memref<100000x64xf32, #tpu.memory_space<hbm>> -> memref<100000x64xf32, #tpu.memory_space<hbm>>
    tpu.wait_indirect_dma semaphore(%arg11 : memref<!tpu.dma_semaphore, #tpu.memory_space<semaphore_mem>>) src(%dma_wait3A_202 : memref<100000x64xf32, #tpu.memory_space<hbm>>) dst(%arg8 : memref<128x64xf32, #tpu.memory_space<vmem>>)
    %scan3A_203 = arith.constant 0 : i32
    %scan3A_204 = arith.constant 0 : i32
    %scan3A_205 = arith.constant 128 : i32
    %scan3A_206 = arith.addi %scan3A_204, %scan3A_205 : i32
    %scan3A_207 = arith.constant 1 : i32
    %scan3A_208 = scf.for %scan3A_421 = %scan3A_204 to %scan3A_206 step %scan3A_207 iter_args(%scan3A_422 = %scan3A_203) -> (i32)  : i32 {
      %get3A = arith.index_cast %scan3A_421 : i32 to index
      %get3A_423 = arith.constant 0 : index
      %get3A_424 = tpu.vector_load %arg8[%get3A, %get3A_423] {strides = array<i32>} : memref<128x64xf32, #tpu.memory_space<vmem>>, vector<1x16xf32>,
      %get3A_425 = vector.shape_cast %get3A_424 : vector<1x16xf32> to vector<16xf32>
      %swap3A = arith.index_cast %scan3A_421 : i32 to index
      %swap3A_426 = arith.constant 0 : index
      %swap3A_427 = tpu.vector_load %arg6[%swap3A, %swap3A_426] {strides = array<i32>} : memref<128x64xf32, #tpu.memory_space<vmem>>, vector<1x16xf32>,
      %swap3A_428 = vector.shape_cast %swap3A_427 : vector<1x16xf32> to vector<16xf32>
      %swap3A_429 = vector.shape_cast %get3A_425 : vector<16xf32> to vector<1x16xf32>
      tpu.vector_store %arg6[%swap3A, %swap3A_426], %swap3A_429 {add = true, strides = array<i32>} : memref<128x64xf32, #tpu.memory_space<vmem>>, vector<1x16xf32>,
      %get3A_430 = arith.index_cast %scan3A_421 : i32 to index
      %get3A_431 = arith.constant 16 : index
      %get3A_432 = tpu.vector_load %arg8[%get3A_430, %get3A_431] {strides = array<i32>} : memref<128x64xf32, #tpu.memory_space<vmem>>, vector<1x16xf32>,
      %get3A_433 = vector.shape_cast %get3A_432 : vector<1x16xf32> to vector<16xf32>
      %swap3A_434 = arith.index_cast %scan3A_421 : i32 to index
      %swap3A_435 = arith.constant 16 : index
      %swap3A_436 = tpu.vector_load %arg6[%swap3A_434, %swap3A_435] {strides = array<i32>} : memref<128x64xf32, #tpu.memory_space<vmem>>, vector<1x16xf32>,
      %swap3A_437 = vector.shape_cast %swap3A_436 : vector<1x16xf32> to vector<16xf32>
      %swap3A_438 = vector.shape_cast %get3A_433 : vector<16xf32> to vector<1x16xf32>
      tpu.vector_store %arg6[%swap3A_434, %swap3A_435], %swap3A_438 {add = true, strides = array<i32>} : memref<128x64xf32, #tpu.memory_space<vmem>>, vector<1x16xf32>,
      %get3A_439 = arith.index_cast %scan3A_421 : i32 to index
      %get3A_440 = arith.constant 32 : index
      %get3A_441 = tpu.vector_load %arg8[%get3A_439, %get3A_440] {strides = array<i32>} : memref<128x64xf32, #tpu.memory_space<vmem>>, vector<1x16xf32>,
      %get3A_442 = vector.shape_cast %get3A_441 : vector<1x16xf32> to vector<16xf32>
      %swap3A_443 = arith.index_cast %scan3A_421 : i32 to index
      %swap3A_444 = arith.constant 32 : index
      %swap3A_445 = tpu.vector_load %arg6[%swap3A_443, %swap3A_444] {strides = array<i32>} : memref<128x64xf32, #tpu.memory_space<vmem>>, vector<1x16xf32>,
      %swap3A_446 = vector.shape_cast %swap3A_445 : vector<1x16xf32> to vector<16xf32>
      %swap3A_447 = vector.shape_cast %get3A_442 : vector<16xf32> to vector<1x16xf32>
      tpu.vector_store %arg6[%swap3A_443, %swap3A_444], %swap3A_447 {add = true, strides = array<i32>} : memref<128x64xf32, #tpu.memory_space<vmem>>, vector<1x16xf32>,
      %get3A_448 = arith.index_cast %scan3A_421 : i32 to index
      %get3A_449 = arith.constant 48 : index
      %get3A_450 = tpu.vector_load %arg8[%get3A_448, %get3A_449] {strides = array<i32>} : memref<128x64xf32, #tpu.memory_space<vmem>>, vector<1x16xf32>,
      %get3A_451 = vector.shape_cast %get3A_450 : vector<1x16xf32> to vector<16xf32>
      %swap3A_452 = arith.index_cast %scan3A_421 : i32 to index
      %swap3A_453 = arith.constant 48 : index
      %swap3A_454 = tpu.vector_load %arg6[%swap3A_452, %swap3A_453] {strides = array<i32>} : memref<128x64xf32, #tpu.memory_space<vmem>>, vector<1x16xf32>,
      %swap3A_455 = vector.shape_cast %swap3A_454 : vector<1x16xf32> to vector<16xf32>
      %swap3A_456 = vector.shape_cast %get3A_451 : vector<16xf32> to vector<1x16xf32>
      tpu.vector_store %arg6[%swap3A_452, %swap3A_453], %swap3A_456 {add = true, strides = array<i32>} : memref<128x64xf32, #tpu.memory_space<vmem>>, vector<1x16xf32>,
      %scan3A_457 = arith.constant 0 : i32
      scf.yield %scan3A_457 : i32
    }
    %scan3A_209 = arith.constant 128 : i32
    %dma_start3A_210 = arith.constant 11 : i32
    %dma_start3A_211 = arith.constant 0 : i32
    %dma_start3A_212 = tpu.memref_slice %arg5[%dma_start3A_210, %dma_start3A_211] : memref<20x128xi32, #tpu.memory_space<vmem>> -> memref<1x128xi32, #tpu.memory_space<vmem>>
    %dma_start3A_213 = tpu.memref_squeeze %dma_start3A_212 : memref<1x128xi32, #tpu.memory_space<vmem>> -> memref<128xi32, #tpu.memory_space<vmem>>
    %dma_start3A_214 = arith.constant 0 : i32
    %dma_start3A_215 = arith.constant 0 : i32
    %dma_start3A_216 = tpu.memref_slice %arg3[%dma_start3A_214, %dma_start3A_215] : memref<100000x64xf32, #tpu.memory_space<hbm>> -> memref<100000x64xf32, #tpu.memory_space<hbm>>
    tpu.enqueue_indirect_dma source(%dma_start3A_216 : memref<100000x64xf32, #tpu.memory_space<hbm>>) target(%arg8 : memref<128x64xf32, #tpu.memory_space<vmem>>) offsets(%dma_start3A_213 : memref<128xi32, #tpu.memory_space<vmem>>) semaphore(%arg11 : memref<!tpu.dma_semaphore, #tpu.memory_space<semaphore_mem>>)
    %dma_wait3A_217 = arith.constant 10 : i32
    %dma_wait3A_218 = arith.constant 0 : i32
    %dma_wait3A_219 = tpu.memref_slice %arg5[%dma_wait3A_217, %dma_wait3A_218] : memref<20x128xi32, #tpu.memory_space<vmem>> -> memref<1x128xi32, #tpu.memory_space<vmem>>
    %dma_wait3A_220 = tpu.memref_squeeze %dma_wait3A_219 : memref<1x128xi32, #tpu.memory_space<vmem>> -> memref<128xi32, #tpu.memory_space<vmem>>
    %dma_wait3A_221 = arith.constant 0 : i32
    %dma_wait3A_222 = arith.constant 0 : i32
    %dma_wait3A_223 = tpu.memref_slice %arg3[%dma_wait3A_221, %dma_wait3A_222] : memref<100000x64xf32, #tpu.memory_space<hbm>> -> memref<100000x64xf32, #tpu.memory_space<hbm>>
    tpu.wait_indirect_dma semaphore(%arg10 : memref<!tpu.dma_semaphore, #tpu.memory_space<semaphore_mem>>) src(%dma_wait3A_223 : memref<100000x64xf32, #tpu.memory_space<hbm>>) dst(%arg7 : memref<128x64xf32, #tpu.memory_space<vmem>>)
    %scan3A_224 = arith.constant 0 : i32
    %scan3A_225 = arith.constant 0 : i32
    %scan3A_226 = arith.constant 128 : i32
    %scan3A_227 = arith.addi %scan3A_225, %scan3A_226 : i32
    %scan3A_228 = arith.constant 1 : i32
    %scan3A_229 = scf.for %scan3A_421 = %scan3A_225 to %scan3A_227 step %scan3A_228 iter_args(%scan3A_422 = %scan3A_224) -> (i32)  : i32 {
      %get3A = arith.index_cast %scan3A_421 : i32 to index
      %get3A_423 = arith.constant 0 : index
      %get3A_424 = tpu.vector_load %arg7[%get3A, %get3A_423] {strides = array<i32>} : memref<128x64xf32, #tpu.memory_space<vmem>>, vector<1x16xf32>,
      %get3A_425 = vector.shape_cast %get3A_424 : vector<1x16xf32> to vector<16xf32>
      %swap3A = arith.index_cast %scan3A_421 : i32 to index
      %swap3A_426 = arith.constant 0 : index
      %swap3A_427 = tpu.vector_load %arg6[%swap3A, %swap3A_426] {strides = array<i32>} : memref<128x64xf32, #tpu.memory_space<vmem>>, vector<1x16xf32>,
      %swap3A_428 = vector.shape_cast %swap3A_427 : vector<1x16xf32> to vector<16xf32>
      %swap3A_429 = vector.shape_cast %get3A_425 : vector<16xf32> to vector<1x16xf32>
      tpu.vector_store %arg6[%swap3A, %swap3A_426], %swap3A_429 {add = true, strides = array<i32>} : memref<128x64xf32, #tpu.memory_space<vmem>>, vector<1x16xf32>,
      %get3A_430 = arith.index_cast %scan3A_421 : i32 to index
      %get3A_431 = arith.constant 16 : index
      %get3A_432 = tpu.vector_load %arg7[%get3A_430, %get3A_431] {strides = array<i32>} : memref<128x64xf32, #tpu.memory_space<vmem>>, vector<1x16xf32>,
      %get3A_433 = vector.shape_cast %get3A_432 : vector<1x16xf32> to vector<16xf32>
      %swap3A_434 = arith.index_cast %scan3A_421 : i32 to index
      %swap3A_435 = arith.constant 16 : index
      %swap3A_436 = tpu.vector_load %arg6[%swap3A_434, %swap3A_435] {strides = array<i32>} : memref<128x64xf32, #tpu.memory_space<vmem>>, vector<1x16xf32>,
      %swap3A_437 = vector.shape_cast %swap3A_436 : vector<1x16xf32> to vector<16xf32>
      %swap3A_438 = vector.shape_cast %get3A_433 : vector<16xf32> to vector<1x16xf32>
      tpu.vector_store %arg6[%swap3A_434, %swap3A_435], %swap3A_438 {add = true, strides = array<i32>} : memref<128x64xf32, #tpu.memory_space<vmem>>, vector<1x16xf32>,
      %get3A_439 = arith.index_cast %scan3A_421 : i32 to index
      %get3A_440 = arith.constant 32 : index
      %get3A_441 = tpu.vector_load %arg7[%get3A_439, %get3A_440] {strides = array<i32>} : memref<128x64xf32, #tpu.memory_space<vmem>>, vector<1x16xf32>,
      %get3A_442 = vector.shape_cast %get3A_441 : vector<1x16xf32> to vector<16xf32>
      %swap3A_443 = arith.index_cast %scan3A_421 : i32 to index
      %swap3A_444 = arith.constant 32 : index
      %swap3A_445 = tpu.vector_load %arg6[%swap3A_443, %swap3A_444] {strides = array<i32>} : memref<128x64xf32, #tpu.memory_space<vmem>>, vector<1x16xf32>,
      %swap3A_446 = vector.shape_cast %swap3A_445 : vector<1x16xf32> to vector<16xf32>
      %swap3A_447 = vector.shape_cast %get3A_442 : vector<16xf32> to vector<1x16xf32>
      tpu.vector_store %arg6[%swap3A_443, %swap3A_444], %swap3A_447 {add = true, strides = array<i32>} : memref<128x64xf32, #tpu.memory_space<vmem>>, vector<1x16xf32>,
      %get3A_448 = arith.index_cast %scan3A_421 : i32 to index
      %get3A_449 = arith.constant 48 : index
      %get3A_450 = tpu.vector_load %arg7[%get3A_448, %get3A_449] {strides = array<i32>} : memref<128x64xf32, #tpu.memory_space<vmem>>, vector<1x16xf32>,
      %get3A_451 = vector.shape_cast %get3A_450 : vector<1x16xf32> to vector<16xf32>
      %swap3A_452 = arith.index_cast %scan3A_421 : i32 to index
      %swap3A_453 = arith.constant 48 : index
      %swap3A_454 = tpu.vector_load %arg6[%swap3A_452, %swap3A_453] {strides = array<i32>} : memref<128x64xf32, #tpu.memory_space<vmem>>, vector<1x16xf32>,
      %swap3A_455 = vector.shape_cast %swap3A_454 : vector<1x16xf32> to vector<16xf32>
      %swap3A_456 = vector.shape_cast %get3A_451 : vector<16xf32> to vector<1x16xf32>
      tpu.vector_store %arg6[%swap3A_452, %swap3A_453], %swap3A_456 {add = true, strides = array<i32>} : memref<128x64xf32, #tpu.memory_space<vmem>>, vector<1x16xf32>,
      %scan3A_457 = arith.constant 0 : i32
      scf.yield %scan3A_457 : i32
    }
    %scan3A_230 = arith.constant 128 : i32
    %dma_start3A_231 = arith.constant 12 : i32
    %dma_start3A_232 = arith.constant 0 : i32
    %dma_start3A_233 = tpu.memref_slice %arg5[%dma_start3A_231, %dma_start3A_232] : memref<20x128xi32, #tpu.memory_space<vmem>> -> memref<1x128xi32, #tpu.memory_space<vmem>>
    %dma_start3A_234 = tpu.memref_squeeze %dma_start3A_233 : memref<1x128xi32, #tpu.memory_space<vmem>> -> memref<128xi32, #tpu.memory_space<vmem>>
    %dma_start3A_235 = arith.constant 0 : i32
    %dma_start3A_236 = arith.constant 0 : i32
    %dma_start3A_237 = tpu.memref_slice %arg3[%dma_start3A_235, %dma_start3A_236] : memref<100000x64xf32, #tpu.memory_space<hbm>> -> memref<100000x64xf32, #tpu.memory_space<hbm>>
    tpu.enqueue_indirect_dma source(%dma_start3A_237 : memref<100000x64xf32, #tpu.memory_space<hbm>>) target(%arg7 : memref<128x64xf32, #tpu.memory_space<vmem>>) offsets(%dma_start3A_234 : memref<128xi32, #tpu.memory_space<vmem>>) semaphore(%arg10 : memref<!tpu.dma_semaphore, #tpu.memory_space<semaphore_mem>>)
    %dma_wait3A_238 = arith.constant 11 : i32
    %dma_wait3A_239 = arith.constant 0 : i32
    %dma_wait3A_240 = tpu.memref_slice %arg5[%dma_wait3A_238, %dma_wait3A_239] : memref<20x128xi32, #tpu.memory_space<vmem>> -> memref<1x128xi32, #tpu.memory_space<vmem>>
    %dma_wait3A_241 = tpu.memref_squeeze %dma_wait3A_240 : memref<1x128xi32, #tpu.memory_space<vmem>> -> memref<128xi32, #tpu.memory_space<vmem>>
    %dma_wait3A_242 = arith.constant 0 : i32
    %dma_wait3A_243 = arith.constant 0 : i32
    %dma_wait3A_244 = tpu.memref_slice %arg3[%dma_wait3A_242, %dma_wait3A_243] : memref<100000x64xf32, #tpu.memory_space<hbm>> -> memref<100000x64xf32, #tpu.memory_space<hbm>>
    tpu.wait_indirect_dma semaphore(%arg11 : memref<!tpu.dma_semaphore, #tpu.memory_space<semaphore_mem>>) src(%dma_wait3A_244 : memref<100000x64xf32, #tpu.memory_space<hbm>>) dst(%arg8 : memref<128x64xf32, #tpu.memory_space<vmem>>)
    %scan3A_245 = arith.constant 0 : i32
    %scan3A_246 = arith.constant 0 : i32
    %scan3A_247 = arith.constant 128 : i32
    %scan3A_248 = arith.addi %scan3A_246, %scan3A_247 : i32
    %scan3A_249 = arith.constant 1 : i32
    %scan3A_250 = scf.for %scan3A_421 = %scan3A_246 to %scan3A_248 step %scan3A_249 iter_args(%scan3A_422 = %scan3A_245) -> (i32)  : i32 {
      %get3A = arith.index_cast %scan3A_421 : i32 to index
      %get3A_423 = arith.constant 0 : index
      %get3A_424 = tpu.vector_load %arg8[%get3A, %get3A_423] {strides = array<i32>} : memref<128x64xf32, #tpu.memory_space<vmem>>, vector<1x16xf32>,
      %get3A_425 = vector.shape_cast %get3A_424 : vector<1x16xf32> to vector<16xf32>
      %swap3A = arith.index_cast %scan3A_421 : i32 to index
      %swap3A_426 = arith.constant 0 : index
      %swap3A_427 = tpu.vector_load %arg6[%swap3A, %swap3A_426] {strides = array<i32>} : memref<128x64xf32, #tpu.memory_space<vmem>>, vector<1x16xf32>,
      %swap3A_428 = vector.shape_cast %swap3A_427 : vector<1x16xf32> to vector<16xf32>
      %swap3A_429 = vector.shape_cast %get3A_425 : vector<16xf32> to vector<1x16xf32>
      tpu.vector_store %arg6[%swap3A, %swap3A_426], %swap3A_429 {add = true, strides = array<i32>} : memref<128x64xf32, #tpu.memory_space<vmem>>, vector<1x16xf32>,
      %get3A_430 = arith.index_cast %scan3A_421 : i32 to index
      %get3A_431 = arith.constant 16 : index
      %get3A_432 = tpu.vector_load %arg8[%get3A_430, %get3A_431] {strides = array<i32>} : memref<128x64xf32, #tpu.memory_space<vmem>>, vector<1x16xf32>,
      %get3A_433 = vector.shape_cast %get3A_432 : vector<1x16xf32> to vector<16xf32>
      %swap3A_434 = arith.index_cast %scan3A_421 : i32 to index
      %swap3A_435 = arith.constant 16 : index
      %swap3A_436 = tpu.vector_load %arg6[%swap3A_434, %swap3A_435] {strides = array<i32>} : memref<128x64xf32, #tpu.memory_space<vmem>>, vector<1x16xf32>,
      %swap3A_437 = vector.shape_cast %swap3A_436 : vector<1x16xf32> to vector<16xf32>
      %swap3A_438 = vector.shape_cast %get3A_433 : vector<16xf32> to vector<1x16xf32>
      tpu.vector_store %arg6[%swap3A_434, %swap3A_435], %swap3A_438 {add = true, strides = array<i32>} : memref<128x64xf32, #tpu.memory_space<vmem>>, vector<1x16xf32>,
      %get3A_439 = arith.index_cast %scan3A_421 : i32 to index
      %get3A_440 = arith.constant 32 : index
      %get3A_441 = tpu.vector_load %arg8[%get3A_439, %get3A_440] {strides = array<i32>} : memref<128x64xf32, #tpu.memory_space<vmem>>, vector<1x16xf32>,
      %get3A_442 = vector.shape_cast %get3A_441 : vector<1x16xf32> to vector<16xf32>
      %swap3A_443 = arith.index_cast %scan3A_421 : i32 to index
      %swap3A_444 = arith.constant 32 : index
      %swap3A_445 = tpu.vector_load %arg6[%swap3A_443, %swap3A_444] {strides = array<i32>} : memref<128x64xf32, #tpu.memory_space<vmem>>, vector<1x16xf32>,
      %swap3A_446 = vector.shape_cast %swap3A_445 : vector<1x16xf32> to vector<16xf32>
      %swap3A_447 = vector.shape_cast %get3A_442 : vector<16xf32> to vector<1x16xf32>
      tpu.vector_store %arg6[%swap3A_443, %swap3A_444], %swap3A_447 {add = true, strides = array<i32>} : memref<128x64xf32, #tpu.memory_space<vmem>>, vector<1x16xf32>,
      %get3A_448 = arith.index_cast %scan3A_421 : i32 to index
      %get3A_449 = arith.constant 48 : index
      %get3A_450 = tpu.vector_load %arg8[%get3A_448, %get3A_449] {strides = array<i32>} : memref<128x64xf32, #tpu.memory_space<vmem>>, vector<1x16xf32>,
      %get3A_451 = vector.shape_cast %get3A_450 : vector<1x16xf32> to vector<16xf32>
      %swap3A_452 = arith.index_cast %scan3A_421 : i32 to index
      %swap3A_453 = arith.constant 48 : index
      %swap3A_454 = tpu.vector_load %arg6[%swap3A_452, %swap3A_453] {strides = array<i32>} : memref<128x64xf32, #tpu.memory_space<vmem>>, vector<1x16xf32>,
      %swap3A_455 = vector.shape_cast %swap3A_454 : vector<1x16xf32> to vector<16xf32>
      %swap3A_456 = vector.shape_cast %get3A_451 : vector<16xf32> to vector<1x16xf32>
      tpu.vector_store %arg6[%swap3A_452, %swap3A_453], %swap3A_456 {add = true, strides = array<i32>} : memref<128x64xf32, #tpu.memory_space<vmem>>, vector<1x16xf32>,
      %scan3A_457 = arith.constant 0 : i32
      scf.yield %scan3A_457 : i32
    }
    %scan3A_251 = arith.constant 128 : i32
    %dma_start3A_252 = arith.constant 13 : i32
    %dma_start3A_253 = arith.constant 0 : i32
    %dma_start3A_254 = tpu.memref_slice %arg5[%dma_start3A_252, %dma_start3A_253] : memref<20x128xi32, #tpu.memory_space<vmem>> -> memref<1x128xi32, #tpu.memory_space<vmem>>
    %dma_start3A_255 = tpu.memref_squeeze %dma_start3A_254 : memref<1x128xi32, #tpu.memory_space<vmem>> -> memref<128xi32, #tpu.memory_space<vmem>>
    %dma_start3A_256 = arith.constant 0 : i32
    %dma_start3A_257 = arith.constant 0 : i32
    %dma_start3A_258 = tpu.memref_slice %arg3[%dma_start3A_256, %dma_start3A_257] : memref<100000x64xf32, #tpu.memory_space<hbm>> -> memref<100000x64xf32, #tpu.memory_space<hbm>>
    tpu.enqueue_indirect_dma source(%dma_start3A_258 : memref<100000x64xf32, #tpu.memory_space<hbm>>) target(%arg8 : memref<128x64xf32, #tpu.memory_space<vmem>>) offsets(%dma_start3A_255 : memref<128xi32, #tpu.memory_space<vmem>>) semaphore(%arg11 : memref<!tpu.dma_semaphore, #tpu.memory_space<semaphore_mem>>)
    %dma_wait3A_259 = arith.constant 12 : i32
    %dma_wait3A_260 = arith.constant 0 : i32
    %dma_wait3A_261 = tpu.memref_slice %arg5[%dma_wait3A_259, %dma_wait3A_260] : memref<20x128xi32, #tpu.memory_space<vmem>> -> memref<1x128xi32, #tpu.memory_space<vmem>>
    %dma_wait3A_262 = tpu.memref_squeeze %dma_wait3A_261 : memref<1x128xi32, #tpu.memory_space<vmem>> -> memref<128xi32, #tpu.memory_space<vmem>>
    %dma_wait3A_263 = arith.constant 0 : i32
    %dma_wait3A_264 = arith.constant 0 : i32
    %dma_wait3A_265 = tpu.memref_slice %arg3[%dma_wait3A_263, %dma_wait3A_264] : memref<100000x64xf32, #tpu.memory_space<hbm>> -> memref<100000x64xf32, #tpu.memory_space<hbm>>
    tpu.wait_indirect_dma semaphore(%arg10 : memref<!tpu.dma_semaphore, #tpu.memory_space<semaphore_mem>>) src(%dma_wait3A_265 : memref<100000x64xf32, #tpu.memory_space<hbm>>) dst(%arg7 : memref<128x64xf32, #tpu.memory_space<vmem>>)
    %scan3A_266 = arith.constant 0 : i32
    %scan3A_267 = arith.constant 0 : i32
    %scan3A_268 = arith.constant 128 : i32
    %scan3A_269 = arith.addi %scan3A_267, %scan3A_268 : i32
    %scan3A_270 = arith.constant 1 : i32
    %scan3A_271 = scf.for %scan3A_421 = %scan3A_267 to %scan3A_269 step %scan3A_270 iter_args(%scan3A_422 = %scan3A_266) -> (i32)  : i32 {
      %get3A = arith.index_cast %scan3A_421 : i32 to index
      %get3A_423 = arith.constant 0 : index
      %get3A_424 = tpu.vector_load %arg7[%get3A, %get3A_423] {strides = array<i32>} : memref<128x64xf32, #tpu.memory_space<vmem>>, vector<1x16xf32>,
      %get3A_425 = vector.shape_cast %get3A_424 : vector<1x16xf32> to vector<16xf32>
      %swap3A = arith.index_cast %scan3A_421 : i32 to index
      %swap3A_426 = arith.constant 0 : index
      %swap3A_427 = tpu.vector_load %arg6[%swap3A, %swap3A_426] {strides = array<i32>} : memref<128x64xf32, #tpu.memory_space<vmem>>, vector<1x16xf32>,
      %swap3A_428 = vector.shape_cast %swap3A_427 : vector<1x16xf32> to vector<16xf32>
      %swap3A_429 = vector.shape_cast %get3A_425 : vector<16xf32> to vector<1x16xf32>
      tpu.vector_store %arg6[%swap3A, %swap3A_426], %swap3A_429 {add = true, strides = array<i32>} : memref<128x64xf32, #tpu.memory_space<vmem>>, vector<1x16xf32>,
      %get3A_430 = arith.index_cast %scan3A_421 : i32 to index
      %get3A_431 = arith.constant 16 : index
      %get3A_432 = tpu.vector_load %arg7[%get3A_430, %get3A_431] {strides = array<i32>} : memref<128x64xf32, #tpu.memory_space<vmem>>, vector<1x16xf32>,
      %get3A_433 = vector.shape_cast %get3A_432 : vector<1x16xf32> to vector<16xf32>
      %swap3A_434 = arith.index_cast %scan3A_421 : i32 to index
      %swap3A_435 = arith.constant 16 : index
      %swap3A_436 = tpu.vector_load %arg6[%swap3A_434, %swap3A_435] {strides = array<i32>} : memref<128x64xf32, #tpu.memory_space<vmem>>, vector<1x16xf32>,
      %swap3A_437 = vector.shape_cast %swap3A_436 : vector<1x16xf32> to vector<16xf32>
      %swap3A_438 = vector.shape_cast %get3A_433 : vector<16xf32> to vector<1x16xf32>
      tpu.vector_store %arg6[%swap3A_434, %swap3A_435], %swap3A_438 {add = true, strides = array<i32>} : memref<128x64xf32, #tpu.memory_space<vmem>>, vector<1x16xf32>,
      %get3A_439 = arith.index_cast %scan3A_421 : i32 to index
      %get3A_440 = arith.constant 32 : index
      %get3A_441 = tpu.vector_load %arg7[%get3A_439, %get3A_440] {strides = array<i32>} : memref<128x64xf32, #tpu.memory_space<vmem>>, vector<1x16xf32>,
      %get3A_442 = vector.shape_cast %get3A_441 : vector<1x16xf32> to vector<16xf32>
      %swap3A_443 = arith.index_cast %scan3A_421 : i32 to index
      %swap3A_444 = arith.constant 32 : index
      %swap3A_445 = tpu.vector_load %arg6[%swap3A_443, %swap3A_444] {strides = array<i32>} : memref<128x64xf32, #tpu.memory_space<vmem>>, vector<1x16xf32>,
      %swap3A_446 = vector.shape_cast %swap3A_445 : vector<1x16xf32> to vector<16xf32>
      %swap3A_447 = vector.shape_cast %get3A_442 : vector<16xf32> to vector<1x16xf32>
      tpu.vector_store %arg6[%swap3A_443, %swap3A_444], %swap3A_447 {add = true, strides = array<i32>} : memref<128x64xf32, #tpu.memory_space<vmem>>, vector<1x16xf32>,
      %get3A_448 = arith.index_cast %scan3A_421 : i32 to index
      %get3A_449 = arith.constant 48 : index
      %get3A_450 = tpu.vector_load %arg7[%get3A_448, %get3A_449] {strides = array<i32>} : memref<128x64xf32, #tpu.memory_space<vmem>>, vector<1x16xf32>,
      %get3A_451 = vector.shape_cast %get3A_450 : vector<1x16xf32> to vector<16xf32>
      %swap3A_452 = arith.index_cast %scan3A_421 : i32 to index
      %swap3A_453 = arith.constant 48 : index
      %swap3A_454 = tpu.vector_load %arg6[%swap3A_452, %swap3A_453] {strides = array<i32>} : memref<128x64xf32, #tpu.memory_space<vmem>>, vector<1x16xf32>,
      %swap3A_455 = vector.shape_cast %swap3A_454 : vector<1x16xf32> to vector<16xf32>
      %swap3A_456 = vector.shape_cast %get3A_451 : vector<16xf32> to vector<1x16xf32>
      tpu.vector_store %arg6[%swap3A_452, %swap3A_453], %swap3A_456 {add = true, strides = array<i32>} : memref<128x64xf32, #tpu.memory_space<vmem>>, vector<1x16xf32>,
      %scan3A_457 = arith.constant 0 : i32
      scf.yield %scan3A_457 : i32
    }
    %scan3A_272 = arith.constant 128 : i32
    %dma_start3A_273 = arith.constant 14 : i32
    %dma_start3A_274 = arith.constant 0 : i32
    %dma_start3A_275 = tpu.memref_slice %arg5[%dma_start3A_273, %dma_start3A_274] : memref<20x128xi32, #tpu.memory_space<vmem>> -> memref<1x128xi32, #tpu.memory_space<vmem>>
    %dma_start3A_276 = tpu.memref_squeeze %dma_start3A_275 : memref<1x128xi32, #tpu.memory_space<vmem>> -> memref<128xi32, #tpu.memory_space<vmem>>
    %dma_start3A_277 = arith.constant 0 : i32
    %dma_start3A_278 = arith.constant 0 : i32
    %dma_start3A_279 = tpu.memref_slice %arg3[%dma_start3A_277, %dma_start3A_278] : memref<100000x64xf32, #tpu.memory_space<hbm>> -> memref<100000x64xf32, #tpu.memory_space<hbm>>
    tpu.enqueue_indirect_dma source(%dma_start3A_279 : memref<100000x64xf32, #tpu.memory_space<hbm>>) target(%arg7 : memref<128x64xf32, #tpu.memory_space<vmem>>) offsets(%dma_start3A_276 : memref<128xi32, #tpu.memory_space<vmem>>) semaphore(%arg10 : memref<!tpu.dma_semaphore, #tpu.memory_space<semaphore_mem>>)
    %dma_wait3A_280 = arith.constant 13 : i32
    %dma_wait3A_281 = arith.constant 0 : i32
    %dma_wait3A_282 = tpu.memref_slice %arg5[%dma_wait3A_280, %dma_wait3A_281] : memref<20x128xi32, #tpu.memory_space<vmem>> -> memref<1x128xi32, #tpu.memory_space<vmem>>
    %dma_wait3A_283 = tpu.memref_squeeze %dma_wait3A_282 : memref<1x128xi32, #tpu.memory_space<vmem>> -> memref<128xi32, #tpu.memory_space<vmem>>
    %dma_wait3A_284 = arith.constant 0 : i32
    %dma_wait3A_285 = arith.constant 0 : i32
    %dma_wait3A_286 = tpu.memref_slice %arg3[%dma_wait3A_284, %dma_wait3A_285] : memref<100000x64xf32, #tpu.memory_space<hbm>> -> memref<100000x64xf32, #tpu.memory_space<hbm>>
    tpu.wait_indirect_dma semaphore(%arg11 : memref<!tpu.dma_semaphore, #tpu.memory_space<semaphore_mem>>) src(%dma_wait3A_286 : memref<100000x64xf32, #tpu.memory_space<hbm>>) dst(%arg8 : memref<128x64xf32, #tpu.memory_space<vmem>>)
    %scan3A_287 = arith.constant 0 : i32
    %scan3A_288 = arith.constant 0 : i32
    %scan3A_289 = arith.constant 128 : i32
    %scan3A_290 = arith.addi %scan3A_288, %scan3A_289 : i32
    %scan3A_291 = arith.constant 1 : i32
    %scan3A_292 = scf.for %scan3A_421 = %scan3A_288 to %scan3A_290 step %scan3A_291 iter_args(%scan3A_422 = %scan3A_287) -> (i32)  : i32 {
      %get3A = arith.index_cast %scan3A_421 : i32 to index
      %get3A_423 = arith.constant 0 : index
      %get3A_424 = tpu.vector_load %arg8[%get3A, %get3A_423] {strides = array<i32>} : memref<128x64xf32, #tpu.memory_space<vmem>>, vector<1x16xf32>,
      %get3A_425 = vector.shape_cast %get3A_424 : vector<1x16xf32> to vector<16xf32>
      %swap3A = arith.index_cast %scan3A_421 : i32 to index
      %swap3A_426 = arith.constant 0 : index
      %swap3A_427 = tpu.vector_load %arg6[%swap3A, %swap3A_426] {strides = array<i32>} : memref<128x64xf32, #tpu.memory_space<vmem>>, vector<1x16xf32>,
      %swap3A_428 = vector.shape_cast %swap3A_427 : vector<1x16xf32> to vector<16xf32>
      %swap3A_429 = vector.shape_cast %get3A_425 : vector<16xf32> to vector<1x16xf32>
      tpu.vector_store %arg6[%swap3A, %swap3A_426], %swap3A_429 {add = true, strides = array<i32>} : memref<128x64xf32, #tpu.memory_space<vmem>>, vector<1x16xf32>,
      %get3A_430 = arith.index_cast %scan3A_421 : i32 to index
      %get3A_431 = arith.constant 16 : index
      %get3A_432 = tpu.vector_load %arg8[%get3A_430, %get3A_431] {strides = array<i32>} : memref<128x64xf32, #tpu.memory_space<vmem>>, vector<1x16xf32>,
      %get3A_433 = vector.shape_cast %get3A_432 : vector<1x16xf32> to vector<16xf32>
      %swap3A_434 = arith.index_cast %scan3A_421 : i32 to index
      %swap3A_435 = arith.constant 16 : index
      %swap3A_436 = tpu.vector_load %arg6[%swap3A_434, %swap3A_435] {strides = array<i32>} : memref<128x64xf32, #tpu.memory_space<vmem>>, vector<1x16xf32>,
      %swap3A_437 = vector.shape_cast %swap3A_436 : vector<1x16xf32> to vector<16xf32>
      %swap3A_438 = vector.shape_cast %get3A_433 : vector<16xf32> to vector<1x16xf32>
      tpu.vector_store %arg6[%swap3A_434, %swap3A_435], %swap3A_438 {add = true, strides = array<i32>} : memref<128x64xf32, #tpu.memory_space<vmem>>, vector<1x16xf32>,
      %get3A_439 = arith.index_cast %scan3A_421 : i32 to index
      %get3A_440 = arith.constant 32 : index
      %get3A_441 = tpu.vector_load %arg8[%get3A_439, %get3A_440] {strides = array<i32>} : memref<128x64xf32, #tpu.memory_space<vmem>>, vector<1x16xf32>,
      %get3A_442 = vector.shape_cast %get3A_441 : vector<1x16xf32> to vector<16xf32>
      %swap3A_443 = arith.index_cast %scan3A_421 : i32 to index
      %swap3A_444 = arith.constant 32 : index
      %swap3A_445 = tpu.vector_load %arg6[%swap3A_443, %swap3A_444] {strides = array<i32>} : memref<128x64xf32, #tpu.memory_space<vmem>>, vector<1x16xf32>,
      %swap3A_446 = vector.shape_cast %swap3A_445 : vector<1x16xf32> to vector<16xf32>
      %swap3A_447 = vector.shape_cast %get3A_442 : vector<16xf32> to vector<1x16xf32>
      tpu.vector_store %arg6[%swap3A_443, %swap3A_444], %swap3A_447 {add = true, strides = array<i32>} : memref<128x64xf32, #tpu.memory_space<vmem>>, vector<1x16xf32>,
      %get3A_448 = arith.index_cast %scan3A_421 : i32 to index
      %get3A_449 = arith.constant 48 : index
      %get3A_450 = tpu.vector_load %arg8[%get3A_448, %get3A_449] {strides = array<i32>} : memref<128x64xf32, #tpu.memory_space<vmem>>, vector<1x16xf32>,
      %get3A_451 = vector.shape_cast %get3A_450 : vector<1x16xf32> to vector<16xf32>
      %swap3A_452 = arith.index_cast %scan3A_421 : i32 to index
      %swap3A_453 = arith.constant 48 : index
      %swap3A_454 = tpu.vector_load %arg6[%swap3A_452, %swap3A_453] {strides = array<i32>} : memref<128x64xf32, #tpu.memory_space<vmem>>, vector<1x16xf32>,
      %swap3A_455 = vector.shape_cast %swap3A_454 : vector<1x16xf32> to vector<16xf32>
      %swap3A_456 = vector.shape_cast %get3A_451 : vector<16xf32> to vector<1x16xf32>
      tpu.vector_store %arg6[%swap3A_452, %swap3A_453], %swap3A_456 {add = true, strides = array<i32>} : memref<128x64xf32, #tpu.memory_space<vmem>>, vector<1x16xf32>,
      %scan3A_457 = arith.constant 0 : i32
      scf.yield %scan3A_457 : i32
    }
    %scan3A_293 = arith.constant 128 : i32
    %dma_start3A_294 = arith.constant 15 : i32
    %dma_start3A_295 = arith.constant 0 : i32
    %dma_start3A_296 = tpu.memref_slice %arg5[%dma_start3A_294, %dma_start3A_295] : memref<20x128xi32, #tpu.memory_space<vmem>> -> memref<1x128xi32, #tpu.memory_space<vmem>>
    %dma_start3A_297 = tpu.memref_squeeze %dma_start3A_296 : memref<1x128xi32, #tpu.memory_space<vmem>> -> memref<128xi32, #tpu.memory_space<vmem>>
    %dma_start3A_298 = arith.constant 0 : i32
    %dma_start3A_299 = arith.constant 0 : i32
    %dma_start3A_300 = tpu.memref_slice %arg3[%dma_start3A_298, %dma_start3A_299] : memref<100000x64xf32, #tpu.memory_space<hbm>> -> memref<100000x64xf32, #tpu.memory_space<hbm>>
    tpu.enqueue_indirect_dma source(%dma_start3A_300 : memref<100000x64xf32, #tpu.memory_space<hbm>>) target(%arg8 : memref<128x64xf32, #tpu.memory_space<vmem>>) offsets(%dma_start3A_297 : memref<128xi32, #tpu.memory_space<vmem>>) semaphore(%arg11 : memref<!tpu.dma_semaphore, #tpu.memory_space<semaphore_mem>>)
    %dma_wait3A_301 = arith.constant 14 : i32
    %dma_wait3A_302 = arith.constant 0 : i32
    %dma_wait3A_303 = tpu.memref_slice %arg5[%dma_wait3A_301, %dma_wait3A_302] : memref<20x128xi32, #tpu.memory_space<vmem>> -> memref<1x128xi32, #tpu.memory_space<vmem>>
    %dma_wait3A_304 = tpu.memref_squeeze %dma_wait3A_303 : memref<1x128xi32, #tpu.memory_space<vmem>> -> memref<128xi32, #tpu.memory_space<vmem>>
    %dma_wait3A_305 = arith.constant 0 : i32
    %dma_wait3A_306 = arith.constant 0 : i32
    %dma_wait3A_307 = tpu.memref_slice %arg3[%dma_wait3A_305, %dma_wait3A_306] : memref<100000x64xf32, #tpu.memory_space<hbm>> -> memref<100000x64xf32, #tpu.memory_space<hbm>>
    tpu.wait_indirect_dma semaphore(%arg10 : memref<!tpu.dma_semaphore, #tpu.memory_space<semaphore_mem>>) src(%dma_wait3A_307 : memref<100000x64xf32, #tpu.memory_space<hbm>>) dst(%arg7 : memref<128x64xf32, #tpu.memory_space<vmem>>)
    %scan3A_308 = arith.constant 0 : i32
    %scan3A_309 = arith.constant 0 : i32
    %scan3A_310 = arith.constant 128 : i32
    %scan3A_311 = arith.addi %scan3A_309, %scan3A_310 : i32
    %scan3A_312 = arith.constant 1 : i32
    %scan3A_313 = scf.for %scan3A_421 = %scan3A_309 to %scan3A_311 step %scan3A_312 iter_args(%scan3A_422 = %scan3A_308) -> (i32)  : i32 {
      %get3A = arith.index_cast %scan3A_421 : i32 to index
      %get3A_423 = arith.constant 0 : index
      %get3A_424 = tpu.vector_load %arg7[%get3A, %get3A_423] {strides = array<i32>} : memref<128x64xf32, #tpu.memory_space<vmem>>, vector<1x16xf32>,
      %get3A_425 = vector.shape_cast %get3A_424 : vector<1x16xf32> to vector<16xf32>
      %swap3A = arith.index_cast %scan3A_421 : i32 to index
      %swap3A_426 = arith.constant 0 : index
      %swap3A_427 = tpu.vector_load %arg6[%swap3A, %swap3A_426] {strides = array<i32>} : memref<128x64xf32, #tpu.memory_space<vmem>>, vector<1x16xf32>,
      %swap3A_428 = vector.shape_cast %swap3A_427 : vector<1x16xf32> to vector<16xf32>
      %swap3A_429 = vector.shape_cast %get3A_425 : vector<16xf32> to vector<1x16xf32>
      tpu.vector_store %arg6[%swap3A, %swap3A_426], %swap3A_429 {add = true, strides = array<i32>} : memref<128x64xf32, #tpu.memory_space<vmem>>, vector<1x16xf32>,
      %get3A_430 = arith.index_cast %scan3A_421 : i32 to index
      %get3A_431 = arith.constant 16 : index
      %get3A_432 = tpu.vector_load %arg7[%get3A_430, %get3A_431] {strides = array<i32>} : memref<128x64xf32, #tpu.memory_space<vmem>>, vector<1x16xf32>,
      %get3A_433 = vector.shape_cast %get3A_432 : vector<1x16xf32> to vector<16xf32>
      %swap3A_434 = arith.index_cast %scan3A_421 : i32 to index
      %swap3A_435 = arith.constant 16 : index
      %swap3A_436 = tpu.vector_load %arg6[%swap3A_434, %swap3A_435] {strides = array<i32>} : memref<128x64xf32, #tpu.memory_space<vmem>>, vector<1x16xf32>,
      %swap3A_437 = vector.shape_cast %swap3A_436 : vector<1x16xf32> to vector<16xf32>
      %swap3A_438 = vector.shape_cast %get3A_433 : vector<16xf32> to vector<1x16xf32>
      tpu.vector_store %arg6[%swap3A_434, %swap3A_435], %swap3A_438 {add = true, strides = array<i32>} : memref<128x64xf32, #tpu.memory_space<vmem>>, vector<1x16xf32>,
      %get3A_439 = arith.index_cast %scan3A_421 : i32 to index
      %get3A_440 = arith.constant 32 : index
      %get3A_441 = tpu.vector_load %arg7[%get3A_439, %get3A_440] {strides = array<i32>} : memref<128x64xf32, #tpu.memory_space<vmem>>, vector<1x16xf32>,
      %get3A_442 = vector.shape_cast %get3A_441 : vector<1x16xf32> to vector<16xf32>
      %swap3A_443 = arith.index_cast %scan3A_421 : i32 to index
      %swap3A_444 = arith.constant 32 : index
      %swap3A_445 = tpu.vector_load %arg6[%swap3A_443, %swap3A_444] {strides = array<i32>} : memref<128x64xf32, #tpu.memory_space<vmem>>, vector<1x16xf32>,
      %swap3A_446 = vector.shape_cast %swap3A_445 : vector<1x16xf32> to vector<16xf32>
      %swap3A_447 = vector.shape_cast %get3A_442 : vector<16xf32> to vector<1x16xf32>
      tpu.vector_store %arg6[%swap3A_443, %swap3A_444], %swap3A_447 {add = true, strides = array<i32>} : memref<128x64xf32, #tpu.memory_space<vmem>>, vector<1x16xf32>,
      %get3A_448 = arith.index_cast %scan3A_421 : i32 to index
      %get3A_449 = arith.constant 48 : index
      %get3A_450 = tpu.vector_load %arg7[%get3A_448, %get3A_449] {strides = array<i32>} : memref<128x64xf32, #tpu.memory_space<vmem>>, vector<1x16xf32>,
      %get3A_451 = vector.shape_cast %get3A_450 : vector<1x16xf32> to vector<16xf32>
      %swap3A_452 = arith.index_cast %scan3A_421 : i32 to index
      %swap3A_453 = arith.constant 48 : index
      %swap3A_454 = tpu.vector_load %arg6[%swap3A_452, %swap3A_453] {strides = array<i32>} : memref<128x64xf32, #tpu.memory_space<vmem>>, vector<1x16xf32>,
      %swap3A_455 = vector.shape_cast %swap3A_454 : vector<1x16xf32> to vector<16xf32>
      %swap3A_456 = vector.shape_cast %get3A_451 : vector<16xf32> to vector<1x16xf32>
      tpu.vector_store %arg6[%swap3A_452, %swap3A_453], %swap3A_456 {add = true, strides = array<i32>} : memref<128x64xf32, #tpu.memory_space<vmem>>, vector<1x16xf32>,
      %scan3A_457 = arith.constant 0 : i32
      scf.yield %scan3A_457 : i32
    }
    %scan3A_314 = arith.constant 128 : i32
    %dma_start3A_315 = arith.constant 16 : i32
    %dma_start3A_316 = arith.constant 0 : i32
    %dma_start3A_317 = tpu.memref_slice %arg5[%dma_start3A_315, %dma_start3A_316] : memref<20x128xi32, #tpu.memory_space<vmem>> -> memref<1x128xi32, #tpu.memory_space<vmem>>
    %dma_start3A_318 = tpu.memref_squeeze %dma_start3A_317 : memref<1x128xi32, #tpu.memory_space<vmem>> -> memref<128xi32, #tpu.memory_space<vmem>>
    %dma_start3A_319 = arith.constant 0 : i32
    %dma_start3A_320 = arith.constant 0 : i32
    %dma_start3A_321 = tpu.memref_slice %arg3[%dma_start3A_319, %dma_start3A_320] : memref<100000x64xf32, #tpu.memory_space<hbm>> -> memref<100000x64xf32, #tpu.memory_space<hbm>>
    tpu.enqueue_indirect_dma source(%dma_start3A_321 : memref<100000x64xf32, #tpu.memory_space<hbm>>) target(%arg7 : memref<128x64xf32, #tpu.memory_space<vmem>>) offsets(%dma_start3A_318 : memref<128xi32, #tpu.memory_space<vmem>>) semaphore(%arg10 : memref<!tpu.dma_semaphore, #tpu.memory_space<semaphore_mem>>)
    %dma_wait3A_322 = arith.constant 15 : i32
    %dma_wait3A_323 = arith.constant 0 : i32
    %dma_wait3A_324 = tpu.memref_slice %arg5[%dma_wait3A_322, %dma_wait3A_323] : memref<20x128xi32, #tpu.memory_space<vmem>> -> memref<1x128xi32, #tpu.memory_space<vmem>>
    %dma_wait3A_325 = tpu.memref_squeeze %dma_wait3A_324 : memref<1x128xi32, #tpu.memory_space<vmem>> -> memref<128xi32, #tpu.memory_space<vmem>>
    %dma_wait3A_326 = arith.constant 0 : i32
    %dma_wait3A_327 = arith.constant 0 : i32
    %dma_wait3A_328 = tpu.memref_slice %arg3[%dma_wait3A_326, %dma_wait3A_327] : memref<100000x64xf32, #tpu.memory_space<hbm>> -> memref<100000x64xf32, #tpu.memory_space<hbm>>
    tpu.wait_indirect_dma semaphore(%arg11 : memref<!tpu.dma_semaphore, #tpu.memory_space<semaphore_mem>>) src(%dma_wait3A_328 : memref<100000x64xf32, #tpu.memory_space<hbm>>) dst(%arg8 : memref<128x64xf32, #tpu.memory_space<vmem>>)
    %scan3A_329 = arith.constant 0 : i32
    %scan3A_330 = arith.constant 0 : i32
    %scan3A_331 = arith.constant 128 : i32
    %scan3A_332 = arith.addi %scan3A_330, %scan3A_331 : i32
    %scan3A_333 = arith.constant 1 : i32
    %scan3A_334 = scf.for %scan3A_421 = %scan3A_330 to %scan3A_332 step %scan3A_333 iter_args(%scan3A_422 = %scan3A_329) -> (i32)  : i32 {
      %get3A = arith.index_cast %scan3A_421 : i32 to index
      %get3A_423 = arith.constant 0 : index
      %get3A_424 = tpu.vector_load %arg8[%get3A, %get3A_423] {strides = array<i32>} : memref<128x64xf32, #tpu.memory_space<vmem>>, vector<1x16xf32>,
      %get3A_425 = vector.shape_cast %get3A_424 : vector<1x16xf32> to vector<16xf32>
      %swap3A = arith.index_cast %scan3A_421 : i32 to index
      %swap3A_426 = arith.constant 0 : index
      %swap3A_427 = tpu.vector_load %arg6[%swap3A, %swap3A_426] {strides = array<i32>} : memref<128x64xf32, #tpu.memory_space<vmem>>, vector<1x16xf32>,
      %swap3A_428 = vector.shape_cast %swap3A_427 : vector<1x16xf32> to vector<16xf32>
      %swap3A_429 = vector.shape_cast %get3A_425 : vector<16xf32> to vector<1x16xf32>
      tpu.vector_store %arg6[%swap3A, %swap3A_426], %swap3A_429 {add = true, strides = array<i32>} : memref<128x64xf32, #tpu.memory_space<vmem>>, vector<1x16xf32>,
      %get3A_430 = arith.index_cast %scan3A_421 : i32 to index
      %get3A_431 = arith.constant 16 : index
      %get3A_432 = tpu.vector_load %arg8[%get3A_430, %get3A_431] {strides = array<i32>} : memref<128x64xf32, #tpu.memory_space<vmem>>, vector<1x16xf32>,
      %get3A_433 = vector.shape_cast %get3A_432 : vector<1x16xf32> to vector<16xf32>
      %swap3A_434 = arith.index_cast %scan3A_421 : i32 to index
      %swap3A_435 = arith.constant 16 : index
      %swap3A_436 = tpu.vector_load %arg6[%swap3A_434, %swap3A_435] {strides = array<i32>} : memref<128x64xf32, #tpu.memory_space<vmem>>, vector<1x16xf32>,
      %swap3A_437 = vector.shape_cast %swap3A_436 : vector<1x16xf32> to vector<16xf32>
      %swap3A_438 = vector.shape_cast %get3A_433 : vector<16xf32> to vector<1x16xf32>
      tpu.vector_store %arg6[%swap3A_434, %swap3A_435], %swap3A_438 {add = true, strides = array<i32>} : memref<128x64xf32, #tpu.memory_space<vmem>>, vector<1x16xf32>,
      %get3A_439 = arith.index_cast %scan3A_421 : i32 to index
      %get3A_440 = arith.constant 32 : index
      %get3A_441 = tpu.vector_load %arg8[%get3A_439, %get3A_440] {strides = array<i32>} : memref<128x64xf32, #tpu.memory_space<vmem>>, vector<1x16xf32>,
      %get3A_442 = vector.shape_cast %get3A_441 : vector<1x16xf32> to vector<16xf32>
      %swap3A_443 = arith.index_cast %scan3A_421 : i32 to index
      %swap3A_444 = arith.constant 32 : index
      %swap3A_445 = tpu.vector_load %arg6[%swap3A_443, %swap3A_444] {strides = array<i32>} : memref<128x64xf32, #tpu.memory_space<vmem>>, vector<1x16xf32>,
      %swap3A_446 = vector.shape_cast %swap3A_445 : vector<1x16xf32> to vector<16xf32>
      %swap3A_447 = vector.shape_cast %get3A_442 : vector<16xf32> to vector<1x16xf32>
      tpu.vector_store %arg6[%swap3A_443, %swap3A_444], %swap3A_447 {add = true, strides = array<i32>} : memref<128x64xf32, #tpu.memory_space<vmem>>, vector<1x16xf32>,
      %get3A_448 = arith.index_cast %scan3A_421 : i32 to index
      %get3A_449 = arith.constant 48 : index
      %get3A_450 = tpu.vector_load %arg8[%get3A_448, %get3A_449] {strides = array<i32>} : memref<128x64xf32, #tpu.memory_space<vmem>>, vector<1x16xf32>,
      %get3A_451 = vector.shape_cast %get3A_450 : vector<1x16xf32> to vector<16xf32>
      %swap3A_452 = arith.index_cast %scan3A_421 : i32 to index
      %swap3A_453 = arith.constant 48 : index
      %swap3A_454 = tpu.vector_load %arg6[%swap3A_452, %swap3A_453] {strides = array<i32>} : memref<128x64xf32, #tpu.memory_space<vmem>>, vector<1x16xf32>,
      %swap3A_455 = vector.shape_cast %swap3A_454 : vector<1x16xf32> to vector<16xf32>
      %swap3A_456 = vector.shape_cast %get3A_451 : vector<16xf32> to vector<1x16xf32>
      tpu.vector_store %arg6[%swap3A_452, %swap3A_453], %swap3A_456 {add = true, strides = array<i32>} : memref<128x64xf32, #tpu.memory_space<vmem>>, vector<1x16xf32>,
      %scan3A_457 = arith.constant 0 : i32
      scf.yield %scan3A_457 : i32
    }
    %scan3A_335 = arith.constant 128 : i32
    %dma_start3A_336 = arith.constant 17 : i32
    %dma_start3A_337 = arith.constant 0 : i32
    %dma_start3A_338 = tpu.memref_slice %arg5[%dma_start3A_336, %dma_start3A_337] : memref<20x128xi32, #tpu.memory_space<vmem>> -> memref<1x128xi32, #tpu.memory_space<vmem>>
    %dma_start3A_339 = tpu.memref_squeeze %dma_start3A_338 : memref<1x128xi32, #tpu.memory_space<vmem>> -> memref<128xi32, #tpu.memory_space<vmem>>
    %dma_start3A_340 = arith.constant 0 : i32
    %dma_start3A_341 = arith.constant 0 : i32
    %dma_start3A_342 = tpu.memref_slice %arg3[%dma_start3A_340, %dma_start3A_341] : memref<100000x64xf32, #tpu.memory_space<hbm>> -> memref<100000x64xf32, #tpu.memory_space<hbm>>
    tpu.enqueue_indirect_dma source(%dma_start3A_342 : memref<100000x64xf32, #tpu.memory_space<hbm>>) target(%arg8 : memref<128x64xf32, #tpu.memory_space<vmem>>) offsets(%dma_start3A_339 : memref<128xi32, #tpu.memory_space<vmem>>) semaphore(%arg11 : memref<!tpu.dma_semaphore, #tpu.memory_space<semaphore_mem>>)
    %dma_wait3A_343 = arith.constant 16 : i32
    %dma_wait3A_344 = arith.constant 0 : i32
    %dma_wait3A_345 = tpu.memref_slice %arg5[%dma_wait3A_343, %dma_wait3A_344] : memref<20x128xi32, #tpu.memory_space<vmem>> -> memref<1x128xi32, #tpu.memory_space<vmem>>
    %dma_wait3A_346 = tpu.memref_squeeze %dma_wait3A_345 : memref<1x128xi32, #tpu.memory_space<vmem>> -> memref<128xi32, #tpu.memory_space<vmem>>
    %dma_wait3A_347 = arith.constant 0 : i32
    %dma_wait3A_348 = arith.constant 0 : i32
    %dma_wait3A_349 = tpu.memref_slice %arg3[%dma_wait3A_347, %dma_wait3A_348] : memref<100000x64xf32, #tpu.memory_space<hbm>> -> memref<100000x64xf32, #tpu.memory_space<hbm>>
    tpu.wait_indirect_dma semaphore(%arg10 : memref<!tpu.dma_semaphore, #tpu.memory_space<semaphore_mem>>) src(%dma_wait3A_349 : memref<100000x64xf32, #tpu.memory_space<hbm>>) dst(%arg7 : memref<128x64xf32, #tpu.memory_space<vmem>>)
    %scan3A_350 = arith.constant 0 : i32
    %scan3A_351 = arith.constant 0 : i32
    %scan3A_352 = arith.constant 128 : i32
    %scan3A_353 = arith.addi %scan3A_351, %scan3A_352 : i32
    %scan3A_354 = arith.constant 1 : i32
    %scan3A_355 = scf.for %scan3A_421 = %scan3A_351 to %scan3A_353 step %scan3A_354 iter_args(%scan3A_422 = %scan3A_350) -> (i32)  : i32 {
      %get3A = arith.index_cast %scan3A_421 : i32 to index
      %get3A_423 = arith.constant 0 : index
      %get3A_424 = tpu.vector_load %arg7[%get3A, %get3A_423] {strides = array<i32>} : memref<128x64xf32, #tpu.memory_space<vmem>>, vector<1x16xf32>,
      %get3A_425 = vector.shape_cast %get3A_424 : vector<1x16xf32> to vector<16xf32>
      %swap3A = arith.index_cast %scan3A_421 : i32 to index
      %swap3A_426 = arith.constant 0 : index
      %swap3A_427 = tpu.vector_load %arg6[%swap3A, %swap3A_426] {strides = array<i32>} : memref<128x64xf32, #tpu.memory_space<vmem>>, vector<1x16xf32>,
      %swap3A_428 = vector.shape_cast %swap3A_427 : vector<1x16xf32> to vector<16xf32>
      %swap3A_429 = vector.shape_cast %get3A_425 : vector<16xf32> to vector<1x16xf32>
      tpu.vector_store %arg6[%swap3A, %swap3A_426], %swap3A_429 {add = true, strides = array<i32>} : memref<128x64xf32, #tpu.memory_space<vmem>>, vector<1x16xf32>,
      %get3A_430 = arith.index_cast %scan3A_421 : i32 to index
      %get3A_431 = arith.constant 16 : index
      %get3A_432 = tpu.vector_load %arg7[%get3A_430, %get3A_431] {strides = array<i32>} : memref<128x64xf32, #tpu.memory_space<vmem>>, vector<1x16xf32>,
      %get3A_433 = vector.shape_cast %get3A_432 : vector<1x16xf32> to vector<16xf32>
      %swap3A_434 = arith.index_cast %scan3A_421 : i32 to index
      %swap3A_435 = arith.constant 16 : index
      %swap3A_436 = tpu.vector_load %arg6[%swap3A_434, %swap3A_435] {strides = array<i32>} : memref<128x64xf32, #tpu.memory_space<vmem>>, vector<1x16xf32>,
      %swap3A_437 = vector.shape_cast %swap3A_436 : vector<1x16xf32> to vector<16xf32>
      %swap3A_438 = vector.shape_cast %get3A_433 : vector<16xf32> to vector<1x16xf32>
      tpu.vector_store %arg6[%swap3A_434, %swap3A_435], %swap3A_438 {add = true, strides = array<i32>} : memref<128x64xf32, #tpu.memory_space<vmem>>, vector<1x16xf32>,
      %get3A_439 = arith.index_cast %scan3A_421 : i32 to index
      %get3A_440 = arith.constant 32 : index
      %get3A_441 = tpu.vector_load %arg7[%get3A_439, %get3A_440] {strides = array<i32>} : memref<128x64xf32, #tpu.memory_space<vmem>>, vector<1x16xf32>,
      %get3A_442 = vector.shape_cast %get3A_441 : vector<1x16xf32> to vector<16xf32>
      %swap3A_443 = arith.index_cast %scan3A_421 : i32 to index
      %swap3A_444 = arith.constant 32 : index
      %swap3A_445 = tpu.vector_load %arg6[%swap3A_443, %swap3A_444] {strides = array<i32>} : memref<128x64xf32, #tpu.memory_space<vmem>>, vector<1x16xf32>,
      %swap3A_446 = vector.shape_cast %swap3A_445 : vector<1x16xf32> to vector<16xf32>
      %swap3A_447 = vector.shape_cast %get3A_442 : vector<16xf32> to vector<1x16xf32>
      tpu.vector_store %arg6[%swap3A_443, %swap3A_444], %swap3A_447 {add = true, strides = array<i32>} : memref<128x64xf32, #tpu.memory_space<vmem>>, vector<1x16xf32>,
      %get3A_448 = arith.index_cast %scan3A_421 : i32 to index
      %get3A_449 = arith.constant 48 : index
      %get3A_450 = tpu.vector_load %arg7[%get3A_448, %get3A_449] {strides = array<i32>} : memref<128x64xf32, #tpu.memory_space<vmem>>, vector<1x16xf32>,
      %get3A_451 = vector.shape_cast %get3A_450 : vector<1x16xf32> to vector<16xf32>
      %swap3A_452 = arith.index_cast %scan3A_421 : i32 to index
      %swap3A_453 = arith.constant 48 : index
      %swap3A_454 = tpu.vector_load %arg6[%swap3A_452, %swap3A_453] {strides = array<i32>} : memref<128x64xf32, #tpu.memory_space<vmem>>, vector<1x16xf32>,
      %swap3A_455 = vector.shape_cast %swap3A_454 : vector<1x16xf32> to vector<16xf32>
      %swap3A_456 = vector.shape_cast %get3A_451 : vector<16xf32> to vector<1x16xf32>
      tpu.vector_store %arg6[%swap3A_452, %swap3A_453], %swap3A_456 {add = true, strides = array<i32>} : memref<128x64xf32, #tpu.memory_space<vmem>>, vector<1x16xf32>,
      %scan3A_457 = arith.constant 0 : i32
      scf.yield %scan3A_457 : i32
    }
    %scan3A_356 = arith.constant 128 : i32
    %dma_start3A_357 = arith.constant 18 : i32
    %dma_start3A_358 = arith.constant 0 : i32
    %dma_start3A_359 = tpu.memref_slice %arg5[%dma_start3A_357, %dma_start3A_358] : memref<20x128xi32, #tpu.memory_space<vmem>> -> memref<1x128xi32, #tpu.memory_space<vmem>>
    %dma_start3A_360 = tpu.memref_squeeze %dma_start3A_359 : memref<1x128xi32, #tpu.memory_space<vmem>> -> memref<128xi32, #tpu.memory_space<vmem>>
    %dma_start3A_361 = arith.constant 0 : i32
    %dma_start3A_362 = arith.constant 0 : i32
    %dma_start3A_363 = tpu.memref_slice %arg3[%dma_start3A_361, %dma_start3A_362] : memref<100000x64xf32, #tpu.memory_space<hbm>> -> memref<100000x64xf32, #tpu.memory_space<hbm>>
    tpu.enqueue_indirect_dma source(%dma_start3A_363 : memref<100000x64xf32, #tpu.memory_space<hbm>>) target(%arg7 : memref<128x64xf32, #tpu.memory_space<vmem>>) offsets(%dma_start3A_360 : memref<128xi32, #tpu.memory_space<vmem>>) semaphore(%arg10 : memref<!tpu.dma_semaphore, #tpu.memory_space<semaphore_mem>>)
    %dma_wait3A_364 = arith.constant 17 : i32
    %dma_wait3A_365 = arith.constant 0 : i32
    %dma_wait3A_366 = tpu.memref_slice %arg5[%dma_wait3A_364, %dma_wait3A_365] : memref<20x128xi32, #tpu.memory_space<vmem>> -> memref<1x128xi32, #tpu.memory_space<vmem>>
    %dma_wait3A_367 = tpu.memref_squeeze %dma_wait3A_366 : memref<1x128xi32, #tpu.memory_space<vmem>> -> memref<128xi32, #tpu.memory_space<vmem>>
    %dma_wait3A_368 = arith.constant 0 : i32
    %dma_wait3A_369 = arith.constant 0 : i32
    %dma_wait3A_370 = tpu.memref_slice %arg3[%dma_wait3A_368, %dma_wait3A_369] : memref<100000x64xf32, #tpu.memory_space<hbm>> -> memref<100000x64xf32, #tpu.memory_space<hbm>>
    tpu.wait_indirect_dma semaphore(%arg11 : memref<!tpu.dma_semaphore, #tpu.memory_space<semaphore_mem>>) src(%dma_wait3A_370 : memref<100000x64xf32, #tpu.memory_space<hbm>>) dst(%arg8 : memref<128x64xf32, #tpu.memory_space<vmem>>)
    %scan3A_371 = arith.constant 0 : i32
    %scan3A_372 = arith.constant 0 : i32
    %scan3A_373 = arith.constant 128 : i32
    %scan3A_374 = arith.addi %scan3A_372, %scan3A_373 : i32
    %scan3A_375 = arith.constant 1 : i32
    %scan3A_376 = scf.for %scan3A_421 = %scan3A_372 to %scan3A_374 step %scan3A_375 iter_args(%scan3A_422 = %scan3A_371) -> (i32)  : i32 {
      %get3A = arith.index_cast %scan3A_421 : i32 to index
      %get3A_423 = arith.constant 0 : index
      %get3A_424 = tpu.vector_load %arg8[%get3A, %get3A_423] {strides = array<i32>} : memref<128x64xf32, #tpu.memory_space<vmem>>, vector<1x16xf32>,
      %get3A_425 = vector.shape_cast %get3A_424 : vector<1x16xf32> to vector<16xf32>
      %swap3A = arith.index_cast %scan3A_421 : i32 to index
      %swap3A_426 = arith.constant 0 : index
      %swap3A_427 = tpu.vector_load %arg6[%swap3A, %swap3A_426] {strides = array<i32>} : memref<128x64xf32, #tpu.memory_space<vmem>>, vector<1x16xf32>,
      %swap3A_428 = vector.shape_cast %swap3A_427 : vector<1x16xf32> to vector<16xf32>
      %swap3A_429 = vector.shape_cast %get3A_425 : vector<16xf32> to vector<1x16xf32>
      tpu.vector_store %arg6[%swap3A, %swap3A_426], %swap3A_429 {add = true, strides = array<i32>} : memref<128x64xf32, #tpu.memory_space<vmem>>, vector<1x16xf32>,
      %get3A_430 = arith.index_cast %scan3A_421 : i32 to index
      %get3A_431 = arith.constant 16 : index
      %get3A_432 = tpu.vector_load %arg8[%get3A_430, %get3A_431] {strides = array<i32>} : memref<128x64xf32, #tpu.memory_space<vmem>>, vector<1x16xf32>,
      %get3A_433 = vector.shape_cast %get3A_432 : vector<1x16xf32> to vector<16xf32>
      %swap3A_434 = arith.index_cast %scan3A_421 : i32 to index
      %swap3A_435 = arith.constant 16 : index
      %swap3A_436 = tpu.vector_load %arg6[%swap3A_434, %swap3A_435] {strides = array<i32>} : memref<128x64xf32, #tpu.memory_space<vmem>>, vector<1x16xf32>,
      %swap3A_437 = vector.shape_cast %swap3A_436 : vector<1x16xf32> to vector<16xf32>
      %swap3A_438 = vector.shape_cast %get3A_433 : vector<16xf32> to vector<1x16xf32>
      tpu.vector_store %arg6[%swap3A_434, %swap3A_435], %swap3A_438 {add = true, strides = array<i32>} : memref<128x64xf32, #tpu.memory_space<vmem>>, vector<1x16xf32>,
      %get3A_439 = arith.index_cast %scan3A_421 : i32 to index
      %get3A_440 = arith.constant 32 : index
      %get3A_441 = tpu.vector_load %arg8[%get3A_439, %get3A_440] {strides = array<i32>} : memref<128x64xf32, #tpu.memory_space<vmem>>, vector<1x16xf32>,
      %get3A_442 = vector.shape_cast %get3A_441 : vector<1x16xf32> to vector<16xf32>
      %swap3A_443 = arith.index_cast %scan3A_421 : i32 to index
      %swap3A_444 = arith.constant 32 : index
      %swap3A_445 = tpu.vector_load %arg6[%swap3A_443, %swap3A_444] {strides = array<i32>} : memref<128x64xf32, #tpu.memory_space<vmem>>, vector<1x16xf32>,
      %swap3A_446 = vector.shape_cast %swap3A_445 : vector<1x16xf32> to vector<16xf32>
      %swap3A_447 = vector.shape_cast %get3A_442 : vector<16xf32> to vector<1x16xf32>
      tpu.vector_store %arg6[%swap3A_443, %swap3A_444], %swap3A_447 {add = true, strides = array<i32>} : memref<128x64xf32, #tpu.memory_space<vmem>>, vector<1x16xf32>,
      %get3A_448 = arith.index_cast %scan3A_421 : i32 to index
      %get3A_449 = arith.constant 48 : index
      %get3A_450 = tpu.vector_load %arg8[%get3A_448, %get3A_449] {strides = array<i32>} : memref<128x64xf32, #tpu.memory_space<vmem>>, vector<1x16xf32>,
      %get3A_451 = vector.shape_cast %get3A_450 : vector<1x16xf32> to vector<16xf32>
      %swap3A_452 = arith.index_cast %scan3A_421 : i32 to index
      %swap3A_453 = arith.constant 48 : index
      %swap3A_454 = tpu.vector_load %arg6[%swap3A_452, %swap3A_453] {strides = array<i32>} : memref<128x64xf32, #tpu.memory_space<vmem>>, vector<1x16xf32>,
      %swap3A_455 = vector.shape_cast %swap3A_454 : vector<1x16xf32> to vector<16xf32>
      %swap3A_456 = vector.shape_cast %get3A_451 : vector<16xf32> to vector<1x16xf32>
      tpu.vector_store %arg6[%swap3A_452, %swap3A_453], %swap3A_456 {add = true, strides = array<i32>} : memref<128x64xf32, #tpu.memory_space<vmem>>, vector<1x16xf32>,
      %scan3A_457 = arith.constant 0 : i32
      scf.yield %scan3A_457 : i32
    }
    %scan3A_377 = arith.constant 128 : i32
    %dma_start3A_378 = arith.constant 19 : i32
    %dma_start3A_379 = arith.constant 0 : i32
    %dma_start3A_380 = tpu.memref_slice %arg5[%dma_start3A_378, %dma_start3A_379] : memref<20x128xi32, #tpu.memory_space<vmem>> -> memref<1x128xi32, #tpu.memory_space<vmem>>
    %dma_start3A_381 = tpu.memref_squeeze %dma_start3A_380 : memref<1x128xi32, #tpu.memory_space<vmem>> -> memref<128xi32, #tpu.memory_space<vmem>>
    %dma_start3A_382 = arith.constant 0 : i32
    %dma_start3A_383 = arith.constant 0 : i32
    %dma_start3A_384 = tpu.memref_slice %arg3[%dma_start3A_382, %dma_start3A_383] : memref<100000x64xf32, #tpu.memory_space<hbm>> -> memref<100000x64xf32, #tpu.memory_space<hbm>>
    tpu.enqueue_indirect_dma source(%dma_start3A_384 : memref<100000x64xf32, #tpu.memory_space<hbm>>) target(%arg8 : memref<128x64xf32, #tpu.memory_space<vmem>>) offsets(%dma_start3A_381 : memref<128xi32, #tpu.memory_space<vmem>>) semaphore(%arg11 : memref<!tpu.dma_semaphore, #tpu.memory_space<semaphore_mem>>)
    %dma_wait3A_385 = arith.constant 18 : i32
    %dma_wait3A_386 = arith.constant 0 : i32
    %dma_wait3A_387 = tpu.memref_slice %arg5[%dma_wait3A_385, %dma_wait3A_386] : memref<20x128xi32, #tpu.memory_space<vmem>> -> memref<1x128xi32, #tpu.memory_space<vmem>>
    %dma_wait3A_388 = tpu.memref_squeeze %dma_wait3A_387 : memref<1x128xi32, #tpu.memory_space<vmem>> -> memref<128xi32, #tpu.memory_space<vmem>>
    %dma_wait3A_389 = arith.constant 0 : i32
    %dma_wait3A_390 = arith.constant 0 : i32
    %dma_wait3A_391 = tpu.memref_slice %arg3[%dma_wait3A_389, %dma_wait3A_390] : memref<100000x64xf32, #tpu.memory_space<hbm>> -> memref<100000x64xf32, #tpu.memory_space<hbm>>
    tpu.wait_indirect_dma semaphore(%arg10 : memref<!tpu.dma_semaphore, #tpu.memory_space<semaphore_mem>>) src(%dma_wait3A_391 : memref<100000x64xf32, #tpu.memory_space<hbm>>) dst(%arg7 : memref<128x64xf32, #tpu.memory_space<vmem>>)
    %scan3A_392 = arith.constant 0 : i32
    %scan3A_393 = arith.constant 0 : i32
    %scan3A_394 = arith.constant 128 : i32
    %scan3A_395 = arith.addi %scan3A_393, %scan3A_394 : i32
    %scan3A_396 = arith.constant 1 : i32
    %scan3A_397 = scf.for %scan3A_421 = %scan3A_393 to %scan3A_395 step %scan3A_396 iter_args(%scan3A_422 = %scan3A_392) -> (i32)  : i32 {
      %get3A = arith.index_cast %scan3A_421 : i32 to index
      %get3A_423 = arith.constant 0 : index
      %get3A_424 = tpu.vector_load %arg7[%get3A, %get3A_423] {strides = array<i32>} : memref<128x64xf32, #tpu.memory_space<vmem>>, vector<1x16xf32>,
      %get3A_425 = vector.shape_cast %get3A_424 : vector<1x16xf32> to vector<16xf32>
      %swap3A = arith.index_cast %scan3A_421 : i32 to index
      %swap3A_426 = arith.constant 0 : index
      %swap3A_427 = tpu.vector_load %arg6[%swap3A, %swap3A_426] {strides = array<i32>} : memref<128x64xf32, #tpu.memory_space<vmem>>, vector<1x16xf32>,
      %swap3A_428 = vector.shape_cast %swap3A_427 : vector<1x16xf32> to vector<16xf32>
      %swap3A_429 = vector.shape_cast %get3A_425 : vector<16xf32> to vector<1x16xf32>
      tpu.vector_store %arg6[%swap3A, %swap3A_426], %swap3A_429 {add = true, strides = array<i32>} : memref<128x64xf32, #tpu.memory_space<vmem>>, vector<1x16xf32>,
      %get3A_430 = arith.index_cast %scan3A_421 : i32 to index
      %get3A_431 = arith.constant 16 : index
      %get3A_432 = tpu.vector_load %arg7[%get3A_430, %get3A_431] {strides = array<i32>} : memref<128x64xf32, #tpu.memory_space<vmem>>, vector<1x16xf32>,
      %get3A_433 = vector.shape_cast %get3A_432 : vector<1x16xf32> to vector<16xf32>
      %swap3A_434 = arith.index_cast %scan3A_421 : i32 to index
      %swap3A_435 = arith.constant 16 : index
      %swap3A_436 = tpu.vector_load %arg6[%swap3A_434, %swap3A_435] {strides = array<i32>} : memref<128x64xf32, #tpu.memory_space<vmem>>, vector<1x16xf32>,
      %swap3A_437 = vector.shape_cast %swap3A_436 : vector<1x16xf32> to vector<16xf32>
      %swap3A_438 = vector.shape_cast %get3A_433 : vector<16xf32> to vector<1x16xf32>
      tpu.vector_store %arg6[%swap3A_434, %swap3A_435], %swap3A_438 {add = true, strides = array<i32>} : memref<128x64xf32, #tpu.memory_space<vmem>>, vector<1x16xf32>,
      %get3A_439 = arith.index_cast %scan3A_421 : i32 to index
      %get3A_440 = arith.constant 32 : index
      %get3A_441 = tpu.vector_load %arg7[%get3A_439, %get3A_440] {strides = array<i32>} : memref<128x64xf32, #tpu.memory_space<vmem>>, vector<1x16xf32>,
      %get3A_442 = vector.shape_cast %get3A_441 : vector<1x16xf32> to vector<16xf32>
      %swap3A_443 = arith.index_cast %scan3A_421 : i32 to index
      %swap3A_444 = arith.constant 32 : index
      %swap3A_445 = tpu.vector_load %arg6[%swap3A_443, %swap3A_444] {strides = array<i32>} : memref<128x64xf32, #tpu.memory_space<vmem>>, vector<1x16xf32>,
      %swap3A_446 = vector.shape_cast %swap3A_445 : vector<1x16xf32> to vector<16xf32>
      %swap3A_447 = vector.shape_cast %get3A_442 : vector<16xf32> to vector<1x16xf32>
      tpu.vector_store %arg6[%swap3A_443, %swap3A_444], %swap3A_447 {add = true, strides = array<i32>} : memref<128x64xf32, #tpu.memory_space<vmem>>, vector<1x16xf32>,
      %get3A_448 = arith.index_cast %scan3A_421 : i32 to index
      %get3A_449 = arith.constant 48 : index
      %get3A_450 = tpu.vector_load %arg7[%get3A_448, %get3A_449] {strides = array<i32>} : memref<128x64xf32, #tpu.memory_space<vmem>>, vector<1x16xf32>,
      %get3A_451 = vector.shape_cast %get3A_450 : vector<1x16xf32> to vector<16xf32>
      %swap3A_452 = arith.index_cast %scan3A_421 : i32 to index
      %swap3A_453 = arith.constant 48 : index
      %swap3A_454 = tpu.vector_load %arg6[%swap3A_452, %swap3A_453] {strides = array<i32>} : memref<128x64xf32, #tpu.memory_space<vmem>>, vector<1x16xf32>,
      %swap3A_455 = vector.shape_cast %swap3A_454 : vector<1x16xf32> to vector<16xf32>
      %swap3A_456 = vector.shape_cast %get3A_451 : vector<16xf32> to vector<1x16xf32>
      tpu.vector_store %arg6[%swap3A_452, %swap3A_453], %swap3A_456 {add = true, strides = array<i32>} : memref<128x64xf32, #tpu.memory_space<vmem>>, vector<1x16xf32>,
      %scan3A_457 = arith.constant 0 : i32
      scf.yield %scan3A_457 : i32
    }
    %scan3A_398 = arith.constant 128 : i32
    %dma_wait3A_399 = arith.constant 19 : i32
    %dma_wait3A_400 = arith.constant 0 : i32
    %dma_wait3A_401 = tpu.memref_slice %arg5[%dma_wait3A_399, %dma_wait3A_400] : memref<20x128xi32, #tpu.memory_space<vmem>> -> memref<1x128xi32, #tpu.memory_space<vmem>>
    %dma_wait3A_402 = tpu.memref_squeeze %dma_wait3A_401 : memref<1x128xi32, #tpu.memory_space<vmem>> -> memref<128xi32, #tpu.memory_space<vmem>>
    %dma_wait3A_403 = arith.constant 0 : i32
    %dma_wait3A_404 = arith.constant 0 : i32
    %dma_wait3A_405 = tpu.memref_slice %arg3[%dma_wait3A_403, %dma_wait3A_404] : memref<100000x64xf32, #tpu.memory_space<hbm>> -> memref<100000x64xf32, #tpu.memory_space<hbm>>
    tpu.wait_indirect_dma semaphore(%arg11 : memref<!tpu.dma_semaphore, #tpu.memory_space<semaphore_mem>>) src(%dma_wait3A_405 : memref<100000x64xf32, #tpu.memory_space<hbm>>) dst(%arg8 : memref<128x64xf32, #tpu.memory_space<vmem>>)
    %scan3A_406 = arith.constant 0 : i32
    %scan3A_407 = arith.constant 0 : i32
    %scan3A_408 = arith.constant 128 : i32
    %scan3A_409 = arith.addi %scan3A_407, %scan3A_408 : i32
    %scan3A_410 = arith.constant 1 : i32
    %scan3A_411 = scf.for %scan3A_421 = %scan3A_407 to %scan3A_409 step %scan3A_410 iter_args(%scan3A_422 = %scan3A_406) -> (i32)  : i32 {
      %get3A = arith.index_cast %scan3A_421 : i32 to index
      %get3A_423 = arith.constant 0 : index
      %get3A_424 = tpu.vector_load %arg8[%get3A, %get3A_423] {strides = array<i32>} : memref<128x64xf32, #tpu.memory_space<vmem>>, vector<1x16xf32>,
      %get3A_425 = vector.shape_cast %get3A_424 : vector<1x16xf32> to vector<16xf32>
      %swap3A = arith.index_cast %scan3A_421 : i32 to index
      %swap3A_426 = arith.constant 0 : index
      %swap3A_427 = tpu.vector_load %arg6[%swap3A, %swap3A_426] {strides = array<i32>} : memref<128x64xf32, #tpu.memory_space<vmem>>, vector<1x16xf32>,
      %swap3A_428 = vector.shape_cast %swap3A_427 : vector<1x16xf32> to vector<16xf32>
      %swap3A_429 = vector.shape_cast %get3A_425 : vector<16xf32> to vector<1x16xf32>
      tpu.vector_store %arg6[%swap3A, %swap3A_426], %swap3A_429 {add = true, strides = array<i32>} : memref<128x64xf32, #tpu.memory_space<vmem>>, vector<1x16xf32>,
      %get3A_430 = arith.index_cast %scan3A_421 : i32 to index
      %get3A_431 = arith.constant 16 : index
      %get3A_432 = tpu.vector_load %arg8[%get3A_430, %get3A_431] {strides = array<i32>} : memref<128x64xf32, #tpu.memory_space<vmem>>, vector<1x16xf32>,
      %get3A_433 = vector.shape_cast %get3A_432 : vector<1x16xf32> to vector<16xf32>
      %swap3A_434 = arith.index_cast %scan3A_421 : i32 to index
      %swap3A_435 = arith.constant 16 : index
      %swap3A_436 = tpu.vector_load %arg6[%swap3A_434, %swap3A_435] {strides = array<i32>} : memref<128x64xf32, #tpu.memory_space<vmem>>, vector<1x16xf32>,
      %swap3A_437 = vector.shape_cast %swap3A_436 : vector<1x16xf32> to vector<16xf32>
      %swap3A_438 = vector.shape_cast %get3A_433 : vector<16xf32> to vector<1x16xf32>
      tpu.vector_store %arg6[%swap3A_434, %swap3A_435], %swap3A_438 {add = true, strides = array<i32>} : memref<128x64xf32, #tpu.memory_space<vmem>>, vector<1x16xf32>,
      %get3A_439 = arith.index_cast %scan3A_421 : i32 to index
      %get3A_440 = arith.constant 32 : index
      %get3A_441 = tpu.vector_load %arg8[%get3A_439, %get3A_440] {strides = array<i32>} : memref<128x64xf32, #tpu.memory_space<vmem>>, vector<1x16xf32>,
      %get3A_442 = vector.shape_cast %get3A_441 : vector<1x16xf32> to vector<16xf32>
      %swap3A_443 = arith.index_cast %scan3A_421 : i32 to index
      %swap3A_444 = arith.constant 32 : index
      %swap3A_445 = tpu.vector_load %arg6[%swap3A_443, %swap3A_444] {strides = array<i32>} : memref<128x64xf32, #tpu.memory_space<vmem>>, vector<1x16xf32>,
      %swap3A_446 = vector.shape_cast %swap3A_445 : vector<1x16xf32> to vector<16xf32>
      %swap3A_447 = vector.shape_cast %get3A_442 : vector<16xf32> to vector<1x16xf32>
      tpu.vector_store %arg6[%swap3A_443, %swap3A_444], %swap3A_447 {add = true, strides = array<i32>} : memref<128x64xf32, #tpu.memory_space<vmem>>, vector<1x16xf32>,
      %get3A_448 = arith.index_cast %scan3A_421 : i32 to index
      %get3A_449 = arith.constant 48 : index
      %get3A_450 = tpu.vector_load %arg8[%get3A_448, %get3A_449] {strides = array<i32>} : memref<128x64xf32, #tpu.memory_space<vmem>>, vector<1x16xf32>,
      %get3A_451 = vector.shape_cast %get3A_450 : vector<1x16xf32> to vector<16xf32>
      %swap3A_452 = arith.index_cast %scan3A_421 : i32 to index
      %swap3A_453 = arith.constant 48 : index
      %swap3A_454 = tpu.vector_load %arg6[%swap3A_452, %swap3A_453] {strides = array<i32>} : memref<128x64xf32, #tpu.memory_space<vmem>>, vector<1x16xf32>,
      %swap3A_455 = vector.shape_cast %swap3A_454 : vector<1x16xf32> to vector<16xf32>
      %swap3A_456 = vector.shape_cast %get3A_451 : vector<16xf32> to vector<1x16xf32>
      tpu.vector_store %arg6[%swap3A_452, %swap3A_453], %swap3A_456 {add = true, strides = array<i32>} : memref<128x64xf32, #tpu.memory_space<vmem>>, vector<1x16xf32>,
      %scan3A_457 = arith.constant 0 : i32
      scf.yield %scan3A_457 : i32
    }
    %scan3A_412 = arith.constant 128 : i32
    %scan3A_413 = arith.constant 5.000000e-02 : f32
    %scan3A_414 = arith.constant 0 : i32
    %scan3A_415 = arith.constant 0 : i32
    %scan3A_416 = arith.constant 128 : i32
    %scan3A_417 = arith.addi %scan3A_415, %scan3A_416 : i32
    %scan3A_418 = arith.constant 1 : i32
    %scan3A_419 = scf.for %scan3A_421 = %scan3A_415 to %scan3A_417 step %scan3A_418 iter_args(%scan3A_422 = %scan3A_414) -> (i32)  : i32 {
      %get3A = arith.index_cast %scan3A_421 : i32 to index
      %get3A_423 = arith.constant 0 : index
      %get3A_424 = tpu.vector_load %arg6[%get3A, %get3A_423] {strides = array<i32>} : memref<128x64xf32, #tpu.memory_space<vmem>>, vector<1x16xf32>,
      %get3A_425 = vector.shape_cast %get3A_424 : vector<1x16xf32> to vector<16xf32>
      %mul3A_426 = vector.broadcast %scan3A_413 : f32 to vector<16xf32>
      %mul3A_427 = arith.mulf %get3A_425, %mul3A_426 : vector<16xf32>
      %swap3A = arith.index_cast %scan3A_421 : i32 to index
      %swap3A_428 = arith.constant 0 : index
      %swap3A_429 = tpu.vector_load %arg6[%swap3A, %swap3A_428] {strides = array<i32>} : memref<128x64xf32, #tpu.memory_space<vmem>>, vector<1x16xf32>,
      %swap3A_430 = vector.shape_cast %swap3A_429 : vector<1x16xf32> to vector<16xf32>
      %swap3A_431 = vector.shape_cast %mul3A_427 : vector<16xf32> to vector<1x16xf32>
      tpu.vector_store %arg6[%swap3A, %swap3A_428], %swap3A_431 {strides = array<i32>} : memref<128x64xf32, #tpu.memory_space<vmem>>, vector<1x16xf32>,
      %get3A_432 = arith.index_cast %scan3A_421 : i32 to index
      %get3A_433 = arith.constant 16 : index
      %get3A_434 = tpu.vector_load %arg6[%get3A_432, %get3A_433] {strides = array<i32>} : memref<128x64xf32, #tpu.memory_space<vmem>>, vector<1x16xf32>,
      %get3A_435 = vector.shape_cast %get3A_434 : vector<1x16xf32> to vector<16xf32>
      %mul3A_436 = vector.broadcast %scan3A_413 : f32 to vector<16xf32>
      %mul3A_437 = arith.mulf %get3A_435, %mul3A_436 : vector<16xf32>
      %swap3A_438 = arith.index_cast %scan3A_421 : i32 to index
      %swap3A_439 = arith.constant 16 : index
      %swap3A_440 = tpu.vector_load %arg6[%swap3A_438, %swap3A_439] {strides = array<i32>} : memref<128x64xf32, #tpu.memory_space<vmem>>, vector<1x16xf32>,
      %swap3A_441 = vector.shape_cast %swap3A_440 : vector<1x16xf32> to vector<16xf32>
      %swap3A_442 = vector.shape_cast %mul3A_437 : vector<16xf32> to vector<1x16xf32>
      tpu.vector_store %arg6[%swap3A_438, %swap3A_439], %swap3A_442 {strides = array<i32>} : memref<128x64xf32, #tpu.memory_space<vmem>>, vector<1x16xf32>,
      %get3A_443 = arith.index_cast %scan3A_421 : i32 to index
      %get3A_444 = arith.constant 32 : index
      %get3A_445 = tpu.vector_load %arg6[%get3A_443, %get3A_444] {strides = array<i32>} : memref<128x64xf32, #tpu.memory_space<vmem>>, vector<1x16xf32>,
      %get3A_446 = vector.shape_cast %get3A_445 : vector<1x16xf32> to vector<16xf32>
      %mul3A_447 = vector.broadcast %scan3A_413 : f32 to vector<16xf32>
      %mul3A_448 = arith.mulf %get3A_446, %mul3A_447 : vector<16xf32>
      %swap3A_449 = arith.index_cast %scan3A_421 : i32 to index
      %swap3A_450 = arith.constant 32 : index
      %swap3A_451 = tpu.vector_load %arg6[%swap3A_449, %swap3A_450] {strides = array<i32>} : memref<128x64xf32, #tpu.memory_space<vmem>>, vector<1x16xf32>,
      %swap3A_452 = vector.shape_cast %swap3A_451 : vector<1x16xf32> to vector<16xf32>
      %swap3A_453 = vector.shape_cast %mul3A_448 : vector<16xf32> to vector<1x16xf32>
      tpu.vector_store %arg6[%swap3A_449, %swap3A_450], %swap3A_453 {strides = array<i32>} : memref<128x64xf32, #tpu.memory_space<vmem>>, vector<1x16xf32>,
      %get3A_454 = arith.index_cast %scan3A_421 : i32 to index
      %get3A_455 = arith.constant 48 : index
      %get3A_456 = tpu.vector_load %arg6[%get3A_454, %get3A_455] {strides = array<i32>} : memref<128x64xf32, #tpu.memory_space<vmem>>, vector<1x16xf32>,
      %get3A_457 = vector.shape_cast %get3A_456 : vector<1x16xf32> to vector<16xf32>
      %mul3A_458 = vector.broadcast %scan3A_413 : f32 to vector<16xf32>
      %mul3A_459 = arith.mulf %get3A_457, %mul3A_458 : vector<16xf32>
      %swap3A_460 = arith.index_cast %scan3A_421 : i32 to index
      %swap3A_461 = arith.constant 48 : index
      %swap3A_462 = tpu.vector_load %arg6[%swap3A_460, %swap3A_461] {strides = array<i32>} : memref<128x64xf32, #tpu.memory_space<vmem>>, vector<1x16xf32>,
      %swap3A_463 = vector.shape_cast %swap3A_462 : vector<1x16xf32> to vector<16xf32>
      %swap3A_464 = vector.shape_cast %mul3A_459 : vector<16xf32> to vector<1x16xf32>
      tpu.vector_store %arg6[%swap3A_460, %swap3A_461], %swap3A_464 {strides = array<i32>} : memref<128x64xf32, #tpu.memory_space<vmem>>, vector<1x16xf32>,
      %scan3A_465 = arith.constant 0 : i32
      scf.yield %scan3A_465 : i32
    }
    %scan3A_420 = arith.constant 128 : i32
    "tpu.region"() ({
      %run_scoped3A = tpu.sem_alloc : memref<!tpu.dma_semaphore, #tpu.memory_space<semaphore_mem>>
      %dma_start3A_421 = arith.constant 0 : i32
      %dma_start3A_422 = tpu.memref_slice %arg4[%mul3A_2, %dma_start3A_421] : memref<4096x64xf32, #tpu.memory_space<hbm>> -> memref<128x64xf32, #tpu.memory_space<hbm>>
      %dma_start3A_423 = arith.constant 0 : i32
      %dma_start3A_424 = tpu.memref_slice %arg4[%mul3A_2, %dma_start3A_423] : memref<4096x64xf32, #tpu.memory_space<hbm>> -> memref<128x64xf32, #tpu.memory_space<hbm>>
      tpu.enqueue_dma source(%arg6 : memref<128x64xf32, #tpu.memory_space<vmem>>) target(%dma_start3A_424 : memref<128x64xf32, #tpu.memory_space<hbm>>) target_semaphore(%run_scoped3A : memref<!tpu.dma_semaphore, #tpu.memory_space<semaphore_mem>>)
      %dma_wait3A_425 = arith.constant 0 : i32
      %dma_wait3A_426 = tpu.memref_slice %arg4[%mul3A_2, %dma_wait3A_425] : memref<4096x64xf32, #tpu.memory_space<hbm>> -> memref<128x64xf32, #tpu.memory_space<hbm>>
      %dma_wait3A_427 = arith.constant 0 : i32
      %dma_wait3A_428 = tpu.memref_slice %arg4[%mul3A_2, %dma_wait3A_427] : memref<4096x64xf32, #tpu.memory_space<hbm>> -> memref<128x64xf32, #tpu.memory_space<hbm>>
      tpu.wait_dma2 semaphore(%run_scoped3A : memref<!tpu.dma_semaphore, #tpu.memory_space<semaphore_mem>>) src(%arg6 : memref<128x64xf32, #tpu.memory_space<vmem>>) dst(%dma_wait3A_428 : memref<128x64xf32, #tpu.memory_space<hbm>>)
      tpu.yield
    }) : () -> ()
    return
  }
}

module attributes {stable_mosaic.version = 14 : i64} {
  func.func @mm_body(%arg0: i32, %arg1: memref<64x512xf32, #tpu.memory_space<vmem>>, %arg2: memref<4096x64xf32, #tpu.memory_space<vmem>>, %arg3: memref<512x1xf32, #tpu.memory_space<vmem>>, %arg4: memref<512x4096xf32, #tpu.memory_space<vmem>>) attributes {dimension_semantics = [#tpu.dimension_semantics<arbitrary>], iteration_bounds = array<i64: 196>, scalar_prefetch = 0 : i64, scratch_operands = 0 : i64, tpu.core_type = #tpu.core_type<tc>, window_params = [{transform_indices = @transform_0, window_bounds = array<i64: 64, 512>}, {pipeline_mode = #tpu.pipeline_mode<synchronous>, transform_indices = @transform_1, window_bounds = array<i64: 4096, 64>}, {transform_indices = @transform_2, window_bounds = array<i64: 512, 1>}, {transform_indices = @transform_3, window_bounds = array<i64: 512, 4096>}]} {
    %get3A = arith.constant 0 : index
    %get3A_0 = arith.constant 0 : index
    %get3A_1 = vector.load %arg1[%get3A, %get3A_0] : memref<64x512xf32, #tpu.memory_space<vmem>>, vector<64x512xf32>
    %get3A_2 = arith.constant 0 : index
    %get3A_3 = arith.constant 0 : index
    %get3A_4 = vector.load %arg2[%get3A_2, %get3A_3] : memref<4096x64xf32, #tpu.memory_space<vmem>>, vector<4096x64xf32>
    %dot_general3A = arith.constant dense<0.000000e+00> : vector<512x4096xf32>
    %dot_general3A_5 = tpu.matmul %get3A_1, %get3A_4, %dot_general3A {dimension_numbers = #tpu.dot_dimension_numbers<[0], [1], [1], [0], [0, 1, 1, 0], [], []>, transpose_lhs_hint = false} : vector<64x512xf32>, vector<4096x64xf32>, vector<512x4096xf32> -> vector<512x4096xf32>
    %get3A_6 = arith.constant 0 : index
    %get3A_7 = arith.constant 0 : index
    %get3A_8 = vector.load %arg3[%get3A_6, %get3A_7] : memref<512x1xf32, #tpu.memory_space<vmem>>, vector<512x1xf32>
    %add3A = vector.broadcast %get3A_8 : vector<512x1xf32> to vector<512x4096xf32>
    %add3A_9 = arith.addf %dot_general3A_5, %add3A : vector<512x4096xf32>
    %swap3A = arith.constant 0 : index
    %swap3A_10 = arith.constant 0 : index
    %swap3A_11 = vector.load %arg4[%swap3A, %swap3A_10] : memref<512x4096xf32, #tpu.memory_space<vmem>>, vector<512x4096xf32>
    tpu.vector_store %arg4[%swap3A, %swap3A_10], %add3A_9 {strides = array<i32>} : memref<512x4096xf32, #tpu.memory_space<vmem>>, vector<512x4096xf32>,
    return
  }
  func.func @transform_0(%arg0: i32) -> (i32, i32) {
    %c0_i32 = arith.constant 0 : i32
    %c0_i32_0 = arith.constant 0 : i32
    return %c0_i32, %arg0 : i32, i32
  }
  func.func @transform_1(%arg0: i32) -> (i32, i32) {
    %c0_i32 = arith.constant 0 : i32
    %c0_i32_0 = arith.constant 0 : i32
    %c0_i32_1 = arith.constant 0 : i32
    return %c0_i32, %c0_i32_0 : i32, i32
  }
  func.func @transform_2(%arg0: i32) -> (i32, i32) {
    %c0_i32 = arith.constant 0 : i32
    %c0_i32_0 = arith.constant 0 : i32
    return %arg0, %c0_i32 : i32, i32
  }
  func.func @transform_3(%arg0: i32) -> (i32, i32) {
    %c0_i32 = arith.constant 0 : i32
    %c0_i32_0 = arith.constant 0 : i32
    return %arg0, %c0_i32 : i32, i32
  }
}

</mosaic_0001>

<sc_bundles>
// kernel: kernel.4.cloned.1.call-start
scs
__scs_entry_jumppad:
0x0: {  	(pc) =	sbr.rel $0x88, $3  }
0x1: {  	(tag) =	ssettag $0x0;
	lr =	simm.s32 $0x1  }
0x2: {  	[smem:$0x3F9D] =	sst lr;
	_ =	strace $0xD0000000  }
0x3: {  	_ = 	snop  }
0x4: {  	_ = 	snop  }
0x5: {  	_ = 	snop  }
0x6: {  	_ = 	snop  }
0x7: {  	_ = 	snop  }
__scs_overlays_trampoline_lowered:
0x8: {  	[smem:$0x3FAC] =	sst s0  }
0x9: {  	[smem:$0x3FAD] =	sst s1  }
0xa: {  	[smem:$0x3FAE] =	sst s2  }
0xb: {  	[smem:$0x3FAF] =	sst s3  }
0xc: {  	[smem:$0x3FB0] =	sst s4  }
0xd: {  	[smem:$0x3FB1] =	sst s5  }
0xe: {  	[smem:$0x3FB2] =	sst s6  }
0xf: {  	[smem:$0x3FB3] =	sst s7  }
0x10: {  	[smem:$0x3FB4] =	sst s8  }
0x11: {  	[smem:$0x3FB5] =	sst s9;
	s0 =	simm.s32 @!p0 $0x0  }
0x12: {  	s1 =	sld [smem:$0x3F9B];
	s0 =	simm.s32 @p0 $0x1  }
0x13: {  	[smem:$0x3FB6] =	sst s0;
	s0 =	simm.s32 @!p1 $0x0  }
0x14: {  	s2 =	sld [smem:$0x3F9A];
	s0 =	simm.s32 @p1 $0x1  }
0x15: {  	[smem:$0x3FB7] =	sst s0;
	s0 =	simm.s32 @!p2 $0x0  }
0x16: {  	s3 =	sld [smem:$0x3FDB];
	s0 =	simm.s32 @p2 $0x1  }
0x17: {  	s4 =	simm.s32 $0x1BF5;
	[smem:$0x3FB9] =	sst s0  }
0x18: {  	s0 =	sld [smem:$0x3F9C];
	_ =	swait.ge [sflag:s4], $0x0  }
0x19: {  	s7 =	sld [smem:$0x3F9D]  }
0x1a: {  	s8 =	sadd.s32 $0xFFFFE003, lr  }
0x1b: {  	s9 =	sadd.s32 $0xFFFFFEF7, lr;
	s5 =	simm.s32 $0xFFFFFFFF;
	p2 =	slt.u32 s8, $0xFFFFF086  }
0x1c: {  	p1 =	slt.u32 s9, $0xF7A;
	s5 =	simm.s32 @!p2 $0x0  }
0x1d: {  	s5 =	simm.s32 @p1 $0x1;
	p0 =	seq.s32 s7, s2  }
0x1e: {  	s7 =	smul.u32 @!p0 $0xF7A, s2;
	p2 =	seq.s32 @!p0 s5, $0x0  }
0x1f: {  	s9 =	smul.u32 $0xF7A, s1;
	s8 =	simm.s32 @!p0 $0x1BF5;
	p2 =	por !p2, p0  }
0x20: {  	[sflag:s8] =	ssyncset.s32 @!p0 $0xFFFFF086;
	s6 =	sadd.s32 @!p0 s3, s7;
	s7 =	simm.s32 @!p0 $0x108  }
0x21: {  	s3 =	sadd.s32 s3, s9;
	s6 =	sadd.s32 @!p0 $0x88, s6;
	s7 =	simm.s32 @p2 $0x1082  }
0x22: {  	[simem:s7], [sflag:s8] =	dma.local @!p0 [hbm:s6], $0xF7A  }
0x23: {  	s9 =	sor.u32 $0xD0000000, s2;
	s6 =	simm.s32 $0x108;
	_ =	swait.ge @!p0 [sflag:s8], $0x0  }
0x24: {  	s3 =	sadd.s32 $0x88, s3;
	s6 =	simm.s32 @!p1 $0x1082;
	[sflag:s4] =	ssyncset.s32 $0xFFFFF086  }
0x25: {  	[simem:s6], [sflag:s4] =	dma.local [hbm:s3], $0xF7A  }
0x26: {  	[smem:$0x3F9D] =	sst s1;
	(tag) =	ssettag s2;
	_ =	strace s9  }
0x27: {  	s1 =	sld [smem:$0x3FAD]  }
0x28: {  	s2 =	sld [smem:$0x3FAE]  }
0x29: {  	s4 =	sld [smem:$0x3FB0]  }
0x2a: {  	p0 =	seq.s32 s5, $0x0;
	s5 =	sld [smem:$0x3FB1]  }
0x2b: {  	s6 =	sld [smem:$0x3FB2]  }
0x2c: {  	s7 =	sld [smem:$0x3FB3]  }
0x2d: {  	s3 =	simm.s32 $0x108;
	s8 =	sld [smem:$0x3FB4]  }
0x2e: {  	s3 =	simm.s32 @!p0 $0x1082;
	s9 =	sld [smem:$0x3FB5]  }
0x2f: {  	lr =	sadd.s32 s0, s3;
	s0 =	sld [smem:$0x3FAC]  }
0x30: {  	s3 =	sld [smem:$0x3FAF]  }
0x31: {  	[smem:$0x3FB8] =	sst s10  }
0x32: {  	s10 =	sld [smem:$0x3FB6];
	_ =	sdelay $0x3  }
0x33: {  	p0 =	seq.s32 s10, $0x1;
	s10 =	sld [smem:$0x3FB8];
	_ =	sdelay $0x3  }
0x34: {  	[smem:$0x3FB8] =	sst s10  }
0x35: {  	s10 =	sld [smem:$0x3FB7];
	_ =	sdelay $0x3  }
0x36: {  	p1 =	seq.s32 s10, $0x1;
	s10 =	sld [smem:$0x3FB8];
	_ =	sdelay $0x3  }
0x37: {  	[smem:$0x3FB8] =	sst s10  }
0x38: {  	s10 =	sld [smem:$0x3FB9]  }
0x39: {  	_ = 	snop;
	(pc) =	sbr.ind lr, $3  }
0x3a: {  	_ = 	snop  }
0x3b: {  	_ = 	snop  }
0x3c: {  	p2 =	seq.s32 s10, $0x1;
	s10 =	sld [smem:$0x3FB8]  }
0x3d: {  	_ =	shalt  }
0x3e: {  	_ =	shalt  }
0x3f: {  	_ =	shalt  }
0x40: {  	_ =	shalt  }
0x41: {  	_ =	shalt  }
0x42: {  	_ =	shalt  }
0x43: {  	_ =	shalt  }
0x44: {  	_ =	shalt  }
0x45: {  	_ =	shalt  }
0x46: {  	_ =	shalt  }
0x47: {  	_ =	shalt  }
0x48: {  	_ =	shalt  }
0x49: {  	_ =	shalt  }
0x4a: {  	_ =	shalt  }
0x4b: {  	_ =	shalt  }
0x4c: {  	_ =	shalt  }
0x4d: {  	_ =	shalt  }
0x4e: {  	_ =	shalt  }
0x4f: {  	_ =	shalt  }
0x50: {  	_ =	shalt  }
0x51: {  	_ =	shalt  }
0x52: {  	_ =	shalt  }
0x53: {  	_ =	shalt  }
0x54: {  	_ =	shalt  }
0x55: {  	_ =	shalt  }
0x56: {  	_ =	shalt  }
0x57: {  	_ =	shalt  }
0x58: {  	_ =	shalt  }
0x59: {  	_ =	shalt  }
0x5a: {  	_ =	shalt  }
0x5b: {  	_ =	shalt  }
0x5c: {  	_ =	shalt  }
0x5d: {  	_ =	shalt  }
0x5e: {  	_ =	shalt  }
0x5f: {  	_ =	shalt  }
0x60: {  	_ =	shalt  }
0x61: {  	_ =	shalt  }
0x62: {  	_ =	shalt  }
0x63: {  	_ =	shalt  }
0x64: {  	_ =	shalt  }
0x65: {  	_ =	shalt  }
0x66: {  	_ =	shalt  }
0x67: {  	_ =	shalt  }
0x68: {  	_ =	shalt  }
0x69: {  	_ =	shalt  }
0x6a: {  	_ =	shalt  }
0x6b: {  	_ =	shalt  }
0x6c: {  	_ =	shalt  }
0x6d: {  	_ =	shalt  }
0x6e: {  	_ =	shalt  }
0x6f: {  	_ =	shalt  }
0x70: {  	_ =	shalt  }
0x71: {  	_ =	shalt  }
0x72: {  	_ =	shalt  }
0x73: {  	_ =	shalt  }
0x74: {  	_ =	shalt  }
0x75: {  	_ =	shalt  }
0x76: {  	_ =	shalt  }
0x77: {  	_ =	shalt  }
0x78: {  	_ =	shalt  }
0x79: {  	_ =	shalt  }
0x7a: {  	_ =	shalt  }
0x7b: {  	_ =	shalt  }
0x7c: {  	_ =	shalt  }
0x7d: {  	_ =	shalt  }
0x7e: {  	_ =	shalt  }
0x7f: {  	_ =	shalt  }
0x80: {  	_ =	shalt  }
0x81: {  	_ =	shalt  }
0x82: {  	_ =	shalt  }
0x83: {  	_ =	shalt  }
0x84: {  	_ =	shalt  }
0x85: {  	_ =	shalt  }
0x86: {  	_ =	shalt  }
0x87: {  	_ =	shalt  }
.Lfunc_end0:
.L_simem_size_0:
called_computation_lowered:
.L_overlay_start_0:
0x88: {  	s2 =	sld [smem:$0x3FD9]  }
0x89: {  	s3 =	sld [smem:$0x3FFE];
	_ =	sdelay $0x1  }
0x8a: {  	s1 =	srdreg.scid  }
0x8b: {  	s0 =	sand.u32 $0x1, s1  }
0x8c: {  	s17 =	sshll.u32 s0, $0xA;
	s2 =	sadd.s32 s3, s2  }
0x8d: {  	s2 =	sadd.s32 s2, s17  }
0x8e: {  	[smem:$0x3FC4] =	sst s2  }
0x8f: {  	_ = 	snop  }
0x90: {  	s2 =	sld [smem:$0x3FD0];
	(tm) =	ssettm $0x1  }
0x91: {  	s18 =	sld [smem:$0x3FFB];
	_ =	sdelay $0x3  }
0x92: {  	_ =	strace s18  }
0x93: {  	s3 =	sld [smem:$0x3FFC];
	_ =	sdelay $0x3  }
0x94: {  	_ =	strace s3  }
0x95: {  	s3 =	sld [smem:$0x3FFD];
	_ =	sdelay $0x3  }
0x96: {  	_ =	strace s3  }
0x97: {  	_ =	strace $0x8FFFFFFF  }
0x98: {  	s19 =	sld [smem:$0x3FDB];
	_ =	sdelay $0x1  }
0x99: {  	s4 =	simm.s32 $_scs_section_size  }
0x9a: {  	s5 =	simm.s32 $_size__tile_overlayer_lowered;
	s6 =	simm.s32 $_tile_overlayer_lowered  }
0x9b: {  	s22 =	simm.s32 $0x1BFF;
	s21 =	sshll.u32 s6, $0x1;
	s3 =	sadd.s32 s4, s19  }
0x9c: {  	s7 =	simm.s32 $0x0;
	s20 =	sshll.u32 s5, $0x1;
	s5 =	sadd.s32 s21, s3  }
0x9d: {  	[timem:s7], [sflag:s22] =	dma.local [hbm:s5], s20  }
0x9e: {  	_ =	swait.ge [sflag:s22], s20  }
0x9f: {  	s4 =	ssub.s32 $0x0, s20;
	[sflag:s22] =	ssyncset.done $0x0  }
0xa0: {  	[sflag:s22] =	ssyncadd.s32 s4;
	_ =	sdelay $0x1  }
0xa1: {  	s23 =	simm.s32 $0x1B8B  }
0xa2: {  	_ =	swait.ge [sflag:s23], $0x1  }
0xa3: {  	[sflag:s23] =	ssyncset.done $0x0  }
0xa4: {  	s25 =	simm.s32 $0x1B8E;
	s24 =	sld [smem:$0x3FFE];
	[sflag:s23] =	ssyncadd.s32 $0xFFFFFFFF  }
0xa5: {  	s26 =	simm.s32 $execute0_lowered;
	[smem:$0x3FD2] =	sst s25  }
0xa6: {  	s5 =	sshll.u32 s26, $0x1;
	_ =	strace $0x80000046;
	[dreg:$0x1] =	wrdreg $0xFFFFFFFF  }
0xa7: {  	s28 =	simm.s32 $_size_execute0_lowered;
	s3 =	sadd.s32 s3, s5;
	[dreg:$0x0] =	wrdreg $0x0  }
0xa8: {  	s5 =	sshll.u32 s28, $0x1;
	[dreg:$0x2] =	wrdreg s3  }
0xa9: {  	[dreg:$0x3] =	wrdreg s5  }
0xaa: {  	[dreg:$0x4] =	wrdreg $0xC0  }
0xab: {  	_ =	task [dreg:s7], $0x5FFFF  }
0xac: {  	[dreg:$0x1] =	wrdreg $0xFFFFFFFF  }
0xad: {  	[dreg:$0x0] =	wrdreg $0x60  }
0xae: {  	[dreg:$0x2] =	wrdreg s24  }
0xaf: {  	[dreg:$0x3] =	wrdreg s2  }
0xb0: {  	[dreg:$0x4] =	wrdreg $0x9  }
0xb1: {  	_ =	task.clear_ibuf [dreg:s7], $0x5FFFF;
	_ =	strace $0x90000046  }
0xb2: {  	s29 =	simm.s32 $0x9;
	_ =	strace $0x80000048  }
0xb3: {  	_ =	swait.ge [sflag:s29], $0x1  }
0xb4: {  	[sflag:s29] =	ssyncadd.s32 $0xFFFFFFFF  }
0xb5: {  	_ =	strace $0x90000048  }
0xb6: {  	_ =	sfence  }
0xb7: {  	s30 =	sld [smem:$0x0];
	_ =	sdelay $0x2  }
0xb8: {  	s31 =	sshll.u32 s1, $0xD;
	s1 =	sshrl.u32 s1, $0x2  }
0xb9: {  	s3 =	sand.u32 $0x4000, s31;
	s1 =	sadd.s32 s1, s30  }
0xba: {  	s0 =	sor.u32 s3, s0;
	s1 =	sshll.u32 s1, $0x11  }
0xbb: {  	s0 =	sor.u32 s1, s0  }
0xbc: {  	s0 =	sadd.s32 $0x8F2B, s0  }
0xbd: {  	[sflag:s0] =	ssyncadd.remote.s32 $0x1  }
0xbe: {  	_ =	sfence.sel $0xFFFF  }
0xbf: {  	[dreg:$0x0] =	wrdreg $0xFFFFFFFF;
	(pc) =	sbr.abs _section_cstart, $3  }
0xc0: {  	[dreg:$0x1] =	wrdreg $0xFFFFFFFF  }
0xc1: {  	_ =	task.clear_ibuf [dreg:s7], $0x2FFFF;
	_ =	strace $0x9FFFFFFF  }
0xc2: {  	(tm) =	ssettm $0x7FFFFFFF  }
0xc3: {  	_ =	shalt  }
tec
execute0_lowered:
.L_overlay_start_1:
0x0: {  	(tag) =	ssettag $0x1  }
0x1: {  	s0 =	rddreg [dreg:$0x0]  }
0x2: {  	s1 =	rddreg [dreg:$0x1];
	s2 =	srdreg.scid  }
0x3: {  	s4 =	stileid.u32;
	s7 =	simm.s32 $0x80;
	s9 =	simm.s32 $0x4  }
0x4: {  	s10 =	simm.s32 $0xA00;
	s11 =	simm.s32 $0x4A00;
	s12 =	simm.s32 $0x1  }
0x5: {  	s14 =	simm.s32 $0x2A00;
	s15 =	simm.s32 $0x3;
	s17 =	simm.s32 $0x2  }
0x6: {  	s22 =	simm.s32 $0x400;
	s23 =	simm.s32 $0x480;
	s24 =	simm.s32 $0x500  }
0x7: {  	s25 =	simm.s32 $0x580;
	s28 =	simm.s32 $0x680;
	s29 =	simm.s32 $0x700  }
0x8: {  	s30 =	simm.s32 $0x780;
	s31 =	simm.s32 $0x800;
	s8 =	simm.s32 $0x980  }
0x9: {  	s13 =	simm.s32 $0x0;
	s3 =	sand.u32 $0x1, s2;
	s2 =	simm.s32 $0x0  }
0xa: {  	s4 =	sshll.u32 s4, $0x8;
	s5 =	sshll.u32 s3, $0x7;
	[smem:$0x7FF] =	sst s2  }
0xb: {  	s6 =	ssub.s32 $0x2, s3;
	s3 =	sadd.s32 $0x2E00, s0;
	s5 =	sor.u32 s5, s4  }
0xc: {  	_ =	strace $0x80000047;
	s26 =	sshrl.u32 s6, $0x1;
	s4 =	sshrl.u32 s5, $0x3  }
0xd: {  	s5 =	sshll.u32 s5, $0x3;
	s4 =	sadd.s32 s4, s0;
	s0 =	ssub.s32 s6, s26  }
0xe: {  	s5 =	sadd.s32 s1, s5;
	s26 =	simm.s32 $0x600;
	s1 =	simm.s32 $0x900  }
0xf: {  	s4 =	sadd.s32 $0x600, s4;
	s6 =	smax.u32 s0, $0x1;
	s0 =	simm.s32 $0x880  }
.LBB2_1:
0x10: {  	s16 =	simm.s32 $0x1000  }
0x11: {  	[tilespmem:s2], [sflag:$0x4] =	stream.strided.gather [hbm4b:s4+s7], $0xA00, s16, s7, $0x38;
	[tilespmem:$0x6A00] =	vst v63  }
0x12: {  	_ =	swait.ge [sflag:s9], $0xA00  }
0x13: {  	[sflag:s9] =	ssyncset.done $0x0  }
0x14: {  	[sflag:s9] =	ssyncadd.s32 $0xFFFFF600  }
0x15: {  	[tilespmem:s10], [sflag:$0x1] =	stream.indirect.gather [hbm4b:s3+s7], $0x40, s2, s7, $0xb8;
	[tilespmem:$0x6A00] =	vst v63  }
0x16: {  	_ = 	snop  }
0x17: {  	[tilespmem:s11], [sflag:$0x3] =	stream.indirect.gather [hbm4b:s3+s7], $0x40, s7, s7, $0xb8;
	[tilespmem:$0x6A00] =	vst v63  }
0x18: {  	_ =	swait.ge [sflag:s12], $0x2000  }
0x19: {  	[sflag:s12] =	ssyncset.done $0x0  }
0x1a: {  	s21 =	simm.s32 $0x100;
	[sflag:s12] =	ssyncadd.s32 $0xFFFFE000  }
0x1b: {  	[tilespmem:s14], [sflag:$0x2] =	stream.indirect.gather [hbm4b:s3+s7], $0x40, s21, s7, $0xb8;
	[tilespmem:$0x6A00] =	vst v63  }
0x1c: {  	_ =	swait.ge [sflag:s15], $0x2000  }
0x1d: {  	[sflag:s15] =	ssyncset.done $0x0  }
0x1e: {  	s16 =	simm.s32 $0x0;
	[sflag:s15] =	ssyncadd.s32 $0xFFFFE000  }
0x1f: {  	v1 =	vld [tilespmem:s16+$0x4A30]  }
0x20: {  	v2 =	vld [tilespmem:s16+$0x4A00]  }
0x21: {  	v3 =	vld [tilespmem:s16+$0x4A10]  }
0x22: {  	v0 =	vld [tilespmem:s16+$0x4A20];
	_ =	sdelay $0x1  }
0x23: {  	[tilespmem:s16+$0xA30] =	vst.add.f32.msk $0xffff, v1  }
0x24: {  	[tilespmem:s16+$0xA00] =	vst.add.f32.msk $0xffff, v2  }
0x25: {  	s18 =	simm.s32 $0x40;
	s19 =	simm.s32 $0x200;
	[tilespmem:s16+$0xA10] =	vst.add.f32.msk $0xffff, v3  }
.LBB2_2:
0x26: {  	p0 =	sne.s32 s19, $0x7F00;
	v1 =	vld [tilespmem:s18+$0x4A30];
	v2 =	vmov v0  }
0x27: {  	v3 =	vld [tilespmem:s18+$0x4A00]  }
0x28: {  	v4 =	vld [tilespmem:s18+$0x4A10]  }
.Ltmp0:
0x29: {  	v0 =	vld [tilespmem:s18+$0x4A20];
	(pc) =	sbr.rel @p0 .LBB2_2-.Ltmp0, $4  }
0x2a: {  	[tilespmem:s16+$0xA20] =	vst.add.f32.msk $0xffff, v2;
	s16 =	smov.u32 s18  }
0x2b: {  	[tilespmem:s16+$0xA30] =	vst.add.f32.msk $0xffff, v1  }
0x2c: {  	[tilespmem:s16+$0xA00] =	vst.add.f32.msk $0xffff, v3  }
0x2d: {  	s18 =	sshra.s32 s19, $0x2;
	s19 =	sadd.s32 $0x100, s19;
	[tilespmem:s16+$0xA10] =	vst.add.f32.msk $0xffff, v4  }
0x2e: {  	v1 =	vld [tilespmem:s18+$0x4A30]  }
0x2f: {  	v2 =	vld [tilespmem:s18+$0x4A00]  }
0x30: {  	v3 =	vld [tilespmem:s18+$0x4A10]  }
0x31: {  	v4 =	vld [tilespmem:s18+$0x4A20]  }
0x32: {  	[tilespmem:s16+$0xA20] =	vst.add.f32.msk $0xffff, v0  }
0x33: {  	[tilespmem:s18+$0xA30] =	vst.add.f32.msk $0xffff, v1  }
0x34: {  	[tilespmem:s18+$0xA00] =	vst.add.f32.msk $0xffff, v2  }
0x35: {  	[tilespmem:s18+$0xA10] =	vst.add.f32.msk $0xffff, v3  }
0x36: {  	s21 =	simm.s32 $0x180;
	[tilespmem:s18+$0xA20] =	vst.add.f32.msk $0xffff, v4  }
0x37: {  	[tilespmem:s11], [sflag:$0x3] =	stream.indirect.gather [hbm4b:s3+s7], $0x40, s21, s7, $0xb8;
	[tilespmem:$0x6A00] =	vst v63  }
0x38: {  	_ =	swait.ge [sflag:s17], $0x2000  }
0x39: {  	[sflag:s17] =	ssyncset.done $0x0  }
0x3a: {  	s16 =	simm.s32 $0x0;
	[sflag:s17] =	ssyncadd.s32 $0xFFFFE000  }
0x3b: {  	v1 =	vld [tilespmem:s16+$0x2A30]  }
0x3c: {  	v2 =	vld [tilespmem:s16+$0x2A00]  }
0x3d: {  	v3 =	vld [tilespmem:s16+$0x2A10]  }
0x3e: {  	v0 =	vld [tilespmem:s16+$0x2A20];
	_ =	sdelay $0x1  }
0x3f: {  	[tilespmem:s16+$0xA30] =	vst.add.f32.msk $0xffff, v1  }
0x40: {  	[tilespmem:s16+$0xA00] =	vst.add.f32.msk $0xffff, v2  }
0x41: {  	s19 =	simm.s32 $0x200;
	s18 =	simm.s32 $0x40;
	[tilespmem:s16+$0xA10] =	vst.add.f32.msk $0xffff, v3  }
.LBB2_4:
0x42: {  	p0 =	sne.s32 s19, $0x7F00;
	v1 =	vld [tilespmem:s18+$0x2A30];
	v2 =	vmov v0  }
0x43: {  	v3 =	vld [tilespmem:s18+$0x2A00]  }
0x44: {  	v4 =	vld [tilespmem:s18+$0x2A10]  }
.Ltmp1:
0x45: {  	v0 =	vld [tilespmem:s18+$0x2A20];
	(pc) =	sbr.rel @p0 .LBB2_4-.Ltmp1, $4  }
0x46: {  	[tilespmem:s16+$0xA20] =	vst.add.f32.msk $0xffff, v2;
	s16 =	smov.u32 s18  }
0x47: {  	[tilespmem:s16+$0xA30] =	vst.add.f32.msk $0xffff, v1  }
0x48: {  	[tilespmem:s16+$0xA00] =	vst.add.f32.msk $0xffff, v3  }
0x49: {  	s18 =	sshra.s32 s19, $0x2;
	s19 =	sadd.s32 $0x100, s19;
	[tilespmem:s16+$0xA10] =	vst.add.f32.msk $0xffff, v4  }
0x4a: {  	v1 =	vld [tilespmem:s18+$0x2A30]  }
0x4b: {  	v2 =	vld [tilespmem:s18+$0x2A00]  }
0x4c: {  	v3 =	vld [tilespmem:s18+$0x2A10]  }
0x4d: {  	v4 =	vld [tilespmem:s18+$0x2A20]  }
0x4e: {  	[tilespmem:s16+$0xA20] =	vst.add.f32.msk $0xffff, v0  }
0x4f: {  	[tilespmem:s18+$0xA30] =	vst.add.f32.msk $0xffff, v1  }
0x50: {  	[tilespmem:s18+$0xA00] =	vst.add.f32.msk $0xffff, v2  }
0x51: {  	[tilespmem:s18+$0xA10] =	vst.add.f32.msk $0xffff, v3  }
0x52: {  	s21 =	simm.s32 $0x200;
	[tilespmem:s18+$0xA20] =	vst.add.f32.msk $0xffff, v4  }
0x53: {  	[tilespmem:s14], [sflag:$0x2] =	stream.indirect.gather [hbm4b:s3+s7], $0x40, s21, s7, $0xb8;
	[tilespmem:$0x6A00] =	vst v63  }
0x54: {  	_ =	swait.ge [sflag:s15], $0x2000  }
0x55: {  	[sflag:s15] =	ssyncset.done $0x0  }
0x56: {  	s16 =	simm.s32 $0x0;
	[sflag:s15] =	ssyncadd.s32 $0xFFFFE000  }
0x57: {  	v1 =	vld [tilespmem:s16+$0x4A30]  }
0x58: {  	v2 =	vld [tilespmem:s16+$0x4A00]  }
0x59: {  	v3 =	vld [tilespmem:s16+$0x4A10]  }
0x5a: {  	v0 =	vld [tilespmem:s16+$0x4A20];
	_ =	sdelay $0x1  }
0x5b: {  	[tilespmem:s16+$0xA30] =	vst.add.f32.msk $0xffff, v1  }
0x5c: {  	[tilespmem:s16+$0xA00] =	vst.add.f32.msk $0xffff, v2  }
0x5d: {  	s19 =	simm.s32 $0x200;
	s18 =	simm.s32 $0x40;
	[tilespmem:s16+$0xA10] =	vst.add.f32.msk $0xffff, v3  }
.LBB2_6:
0x5e: {  	p0 =	sne.s32 s19, $0x7F00;
	v1 =	vld [tilespmem:s18+$0x4A30];
	v2 =	vmov v0  }
0x5f: {  	v3 =	vld [tilespmem:s18+$0x4A00]  }
0x60: {  	v4 =	vld [tilespmem:s18+$0x4A10]  }
.Ltmp2:
0x61: {  	v0 =	vld [tilespmem:s18+$0x4A20];
	(pc) =	sbr.rel @p0 .LBB2_6-.Ltmp2, $4  }
0x62: {  	[tilespmem:s16+$0xA20] =	vst.add.f32.msk $0xffff, v2;
	s16 =	smov.u32 s18  }
0x63: {  	[tilespmem:s16+$0xA30] =	vst.add.f32.msk $0xffff, v1  }
0x64: {  	[tilespmem:s16+$0xA00] =	vst.add.f32.msk $0xffff, v3  }
0x65: {  	s18 =	sshra.s32 s19, $0x2;
	s19 =	sadd.s32 $0x100, s19;
	[tilespmem:s16+$0xA10] =	vst.add.f32.msk $0xffff, v4  }
0x66: {  	v1 =	vld [tilespmem:s18+$0x4A30]  }
0x67: {  	v2 =	vld [tilespmem:s18+$0x4A00]  }
0x68: {  	v3 =	vld [tilespmem:s18+$0x4A10]  }
0x69: {  	v4 =	vld [tilespmem:s18+$0x4A20]  }
0x6a: {  	[tilespmem:s16+$0xA20] =	vst.add.f32.msk $0xffff, v0  }
0x6b: {  	[tilespmem:s18+$0xA30] =	vst.add.f32.msk $0xffff, v1  }
0x6c: {  	[tilespmem:s18+$0xA00] =	vst.add.f32.msk $0xffff, v2  }
0x6d: {  	[tilespmem:s18+$0xA10] =	vst.add.f32.msk $0xffff, v3  }
0x6e: {  	s21 =	simm.s32 $0x280;
	[tilespmem:s18+$0xA20] =	vst.add.f32.msk $0xffff, v4  }
0x6f: {  	[tilespmem:s11], [sflag:$0x3] =	stream.indirect.gather [hbm4b:s3+s7], $0x40, s21, s7, $0xb8;
	[tilespmem:$0x6A00] =	vst v63  }
0x70: {  	_ =	swait.ge [sflag:s17], $0x2000  }
0x71: {  	[sflag:s17] =	ssyncset.done $0x0  }
0x72: {  	s16 =	simm.s32 $0x0;
	[sflag:s17] =	ssyncadd.s32 $0xFFFFE000  }
0x73: {  	v1 =	vld [tilespmem:s16+$0x2A30]  }
0x74: {  	v2 =	vld [tilespmem:s16+$0x2A00]  }
0x75: {  	v3 =	vld [tilespmem:s16+$0x2A10]  }
0x76: {  	v0 =	vld [tilespmem:s16+$0x2A20];
	_ =	sdelay $0x1  }
0x77: {  	[tilespmem:s16+$0xA30] =	vst.add.f32.msk $0xffff, v1  }
0x78: {  	[tilespmem:s16+$0xA00] =	vst.add.f32.msk $0xffff, v2  }
0x79: {  	s19 =	simm.s32 $0x200;
	s18 =	simm.s32 $0x40;
	[tilespmem:s16+$0xA10] =	vst.add.f32.msk $0xffff, v3  }
.LBB2_8:
0x7a: {  	p0 =	sne.s32 s19, $0x7F00;
	v1 =	vld [tilespmem:s18+$0x2A30];
	v2 =	vmov v0  }
0x7b: {  	v3 =	vld [tilespmem:s18+$0x2A00]  }
0x7c: {  	v4 =	vld [tilespmem:s18+$0x2A10]  }
.Ltmp3:
0x7d: {  	v0 =	vld [tilespmem:s18+$0x2A20];
	(pc) =	sbr.rel @p0 .LBB2_8-.Ltmp3, $4  }
0x7e: {  	[tilespmem:s16+$0xA20] =	vst.add.f32.msk $0xffff, v2;
	s16 =	smov.u32 s18  }
0x7f: {  	[tilespmem:s16+$0xA30] =	vst.add.f32.msk $0xffff, v1  }
0x80: {  	[tilespmem:s16+$0xA00] =	vst.add.f32.msk $0xffff, v3  }
0x81: {  	s18 =	sshra.s32 s19, $0x2;
	s19 =	sadd.s32 $0x100, s19;
	[tilespmem:s16+$0xA10] =	vst.add.f32.msk $0xffff, v4  }
0x82: {  	v1 =	vld [tilespmem:s18+$0x2A30]  }
0x83: {  	v2 =	vld [tilespmem:s18+$0x2A00]  }
0x84: {  	v3 =	vld [tilespmem:s18+$0x2A10]  }
0x85: {  	v4 =	vld [tilespmem:s18+$0x2A20]  }
0x86: {  	[tilespmem:s16+$0xA20] =	vst.add.f32.msk $0xffff, v0  }
0x87: {  	[tilespmem:s18+$0xA30] =	vst.add.f32.msk $0xffff, v1  }
0x88: {  	[tilespmem:s18+$0xA00] =	vst.add.f32.msk $0xffff, v2  }
0x89: {  	[tilespmem:s18+$0xA10] =	vst.add.f32.msk $0xffff, v3  }
0x8a: {  	s21 =	simm.s32 $0x300;
	[tilespmem:s18+$0xA20] =	vst.add.f32.msk $0xffff, v4  }
0x8b: {  	[tilespmem:s14], [sflag:$0x2] =	stream.indirect.gather [hbm4b:s3+s7], $0x40, s21, s7, $0xb8;
	[tilespmem:$0x6A00] =	vst v63  }
0x8c: {  	_ =	swait.ge [sflag:s15], $0x2000  }
0x8d: {  	[sflag:s15] =	ssyncset.done $0x0  }
0x8e: {  	s16 =	simm.s32 $0x0;
	[sflag:s15] =	ssyncadd.s32 $0xFFFFE000  }
0x8f: {  	v1 =	vld [tilespmem:s16+$0x4A30]  }
0x90: {  	v2 =	vld [tilespmem:s16+$0x4A00]  }
0x91: {  	v3 =	vld [tilespmem:s16+$0x4A10]  }
0x92: {  	v0 =	vld [tilespmem:s16+$0x4A20];
	_ =	sdelay $0x1  }
0x93: {  	[tilespmem:s16+$0xA30] =	vst.add.f32.msk $0xffff, v1  }
0x94: {  	[tilespmem:s16+$0xA00] =	vst.add.f32.msk $0xffff, v2  }
0x95: {  	s19 =	simm.s32 $0x200;
	s18 =	simm.s32 $0x40;
	[tilespmem:s16+$0xA10] =	vst.add.f32.msk $0xffff, v3  }
.LBB2_10:
0x96: {  	p0 =	sne.s32 s19, $0x7F00;
	v1 =	vld [tilespmem:s18+$0x4A30];
	v2 =	vmov v0  }
0x97: {  	v3 =	vld [tilespmem:s18+$0x4A00]  }
0x98: {  	v4 =	vld [tilespmem:s18+$0x4A10]  }
.Ltmp4:
0x99: {  	v0 =	vld [tilespmem:s18+$0x4A20];
	(pc) =	sbr.rel @p0 .LBB2_10-.Ltmp4, $4  }
0x9a: {  	[tilespmem:s16+$0xA20] =	vst.add.f32.msk $0xffff, v2;
	s16 =	smov.u32 s18  }
0x9b: {  	[tilespmem:s16+$0xA30] =	vst.add.f32.msk $0xffff, v1  }
0x9c: {  	[tilespmem:s16+$0xA00] =	vst.add.f32.msk $0xffff, v3  }
0x9d: {  	s18 =	sshra.s32 s19, $0x2;
	s19 =	sadd.s32 $0x100, s19;
	[tilespmem:s16+$0xA10] =	vst.add.f32.msk $0xffff, v4  }
0x9e: {  	v1 =	vld [tilespmem:s18+$0x4A30]  }
0x9f: {  	v2 =	vld [tilespmem:s18+$0x4A00]  }
0xa0: {  	v3 =	vld [tilespmem:s18+$0x4A10]  }
0xa1: {  	v4 =	vld [tilespmem:s18+$0x4A20]  }
0xa2: {  	[tilespmem:s16+$0xA20] =	vst.add.f32.msk $0xffff, v0  }
0xa3: {  	[tilespmem:s18+$0xA30] =	vst.add.f32.msk $0xffff, v1  }
0xa4: {  	[tilespmem:s18+$0xA00] =	vst.add.f32.msk $0xffff, v2  }
0xa5: {  	[tilespmem:s18+$0xA10] =	vst.add.f32.msk $0xffff, v3  }
0xa6: {  	s21 =	simm.s32 $0x380;
	[tilespmem:s18+$0xA20] =	vst.add.f32.msk $0xffff, v4  }
0xa7: {  	[tilespmem:s11], [sflag:$0x3] =	stream.indirect.gather [hbm4b:s3+s7], $0x40, s21, s7, $0xb8;
	[tilespmem:$0x6A00] =	vst v63  }
0xa8: {  	_ =	swait.ge [sflag:s17], $0x2000  }
0xa9: {  	[sflag:s17] =	ssyncset.done $0x0  }
0xaa: {  	s16 =	simm.s32 $0x0;
	[sflag:s17] =	ssyncadd.s32 $0xFFFFE000  }
0xab: {  	v1 =	vld [tilespmem:s16+$0x2A30]  }
0xac: {  	v2 =	vld [tilespmem:s16+$0x2A00]  }
0xad: {  	v3 =	vld [tilespmem:s16+$0x2A10]  }
0xae: {  	v0 =	vld [tilespmem:s16+$0x2A20];
	_ =	sdelay $0x1  }
0xaf: {  	[tilespmem:s16+$0xA30] =	vst.add.f32.msk $0xffff, v1  }
0xb0: {  	[tilespmem:s16+$0xA00] =	vst.add.f32.msk $0xffff, v2  }
0xb1: {  	s19 =	simm.s32 $0x200;
	s18 =	simm.s32 $0x40;
	[tilespmem:s16+$0xA10] =	vst.add.f32.msk $0xffff, v3  }
.LBB2_12:
0xb2: {  	p0 =	sne.s32 s19, $0x7F00;
	v1 =	vld [tilespmem:s18+$0x2A30];
	v2 =	vmov v0  }
0xb3: {  	v3 =	vld [tilespmem:s18+$0x2A00]  }
0xb4: {  	v4 =	vld [tilespmem:s18+$0x2A10]  }
.Ltmp5:
0xb5: {  	v0 =	vld [tilespmem:s18+$0x2A20];
	(pc) =	sbr.rel @p0 .LBB2_12-.Ltmp5, $4  }
0xb6: {  	[tilespmem:s16+$0xA20] =	vst.add.f32.msk $0xffff, v2;
	s16 =	smov.u32 s18  }
0xb7: {  	[tilespmem:s16+$0xA30] =	vst.add.f32.msk $0xffff, v1  }
0xb8: {  	[tilespmem:s16+$0xA00] =	vst.add.f32.msk $0xffff, v3  }
0xb9: {  	s18 =	sshra.s32 s19, $0x2;
	s19 =	sadd.s32 $0x100, s19;
	[tilespmem:s16+$0xA10] =	vst.add.f32.msk $0xffff, v4  }
0xba: {  	v1 =	vld [tilespmem:s18+$0x2A30]  }
0xbb: {  	v2 =	vld [tilespmem:s18+$0x2A00]  }
0xbc: {  	v3 =	vld [tilespmem:s18+$0x2A10]  }
0xbd: {  	v4 =	vld [tilespmem:s18+$0x2A20]  }
0xbe: {  	[tilespmem:s16+$0xA20] =	vst.add.f32.msk $0xffff, v0  }
0xbf: {  	[tilespmem:s18+$0xA30] =	vst.add.f32.msk $0xffff, v1  }
0xc0: {  	[tilespmem:s18+$0xA00] =	vst.add.f32.msk $0xffff, v2  }
0xc1: {  	[tilespmem:s18+$0xA10] =	vst.add.f32.msk $0xffff, v3  }
0xc2: {  	[tilespmem:s18+$0xA20] =	vst.add.f32.msk $0xffff, v4  }
0xc3: {  	[tilespmem:s14], [sflag:$0x2] =	stream.indirect.gather [hbm4b:s3+s7], $0x40, s22, s7, $0xb8;
	[tilespmem:$0x6A00] =	vst v63  }
0xc4: {  	_ =	swait.ge [sflag:s15], $0x2000  }
0xc5: {  	[sflag:s15] =	ssyncset.done $0x0  }
0xc6: {  	s16 =	simm.s32 $0x0;
	[sflag:s15] =	ssyncadd.s32 $0xFFFFE000  }
0xc7: {  	v1 =	vld [tilespmem:s16+$0x4A30]  }
0xc8: {  	v2 =	vld [tilespmem:s16+$0x4A00]  }
0xc9: {  	v3 =	vld [tilespmem:s16+$0x4A10]  }
0xca: {  	v0 =	vld [tilespmem:s16+$0x4A20];
	_ =	sdelay $0x1  }
0xcb: {  	[tilespmem:s16+$0xA30] =	vst.add.f32.msk $0xffff, v1  }
0xcc: {  	[tilespmem:s16+$0xA00] =	vst.add.f32.msk $0xffff, v2  }
0xcd: {  	s19 =	simm.s32 $0x200;
	s18 =	simm.s32 $0x40;
	[tilespmem:s16+$0xA10] =	vst.add.f32.msk $0xffff, v3  }
.LBB2_14:
0xce: {  	p0 =	sne.s32 s19, $0x7F00;
	v1 =	vld [tilespmem:s18+$0x4A30];
	v2 =	vmov v0  }
0xcf: {  	v3 =	vld [tilespmem:s18+$0x4A00]  }
0xd0: {  	v4 =	vld [tilespmem:s18+$0x4A10]  }
.Ltmp6:
0xd1: {  	v0 =	vld [tilespmem:s18+$0x4A20];
	(pc) =	sbr.rel @p0 .LBB2_14-.Ltmp6, $4  }
0xd2: {  	[tilespmem:s16+$0xA20] =	vst.add.f32.msk $0xffff, v2;
	s16 =	smov.u32 s18  }
0xd3: {  	[tilespmem:s16+$0xA30] =	vst.add.f32.msk $0xffff, v1  }
0xd4: {  	[tilespmem:s16+$0xA00] =	vst.add.f32.msk $0xffff, v3  }
0xd5: {  	s18 =	sshra.s32 s19, $0x2;
	s19 =	sadd.s32 $0x100, s19;
	[tilespmem:s16+$0xA10] =	vst.add.f32.msk $0xffff, v4  }
0xd6: {  	v1 =	vld [tilespmem:s18+$0x4A30]  }
0xd7: {  	v2 =	vld [tilespmem:s18+$0x4A00]  }
0xd8: {  	v3 =	vld [tilespmem:s18+$0x4A10]  }
0xd9: {  	v4 =	vld [tilespmem:s18+$0x4A20]  }
0xda: {  	[tilespmem:s16+$0xA20] =	vst.add.f32.msk $0xffff, v0  }
0xdb: {  	[tilespmem:s18+$0xA30] =	vst.add.f32.msk $0xffff, v1  }
0xdc: {  	[tilespmem:s18+$0xA00] =	vst.add.f32.msk $0xffff, v2  }
0xdd: {  	[tilespmem:s18+$0xA10] =	vst.add.f32.msk $0xffff, v3  }
0xde: {  	[tilespmem:s18+$0xA20] =	vst.add.f32.msk $0xffff, v4  }
0xdf: {  	[tilespmem:s11], [sflag:$0x3] =	stream.indirect.gather [hbm4b:s3+s7], $0x40, s23, s7, $0xb8;
	[tilespmem:$0x6A00] =	vst v63  }
0xe0: {  	_ =	swait.ge [sflag:s17], $0x2000  }
0xe1: {  	[sflag:s17] =	ssyncset.done $0x0  }
0xe2: {  	s16 =	simm.s32 $0x0;
	[sflag:s17] =	ssyncadd.s32 $0xFFFFE000  }
0xe3: {  	v1 =	vld [tilespmem:s16+$0x2A30]  }
0xe4: {  	v2 =	vld [tilespmem:s16+$0x2A00]  }
0xe5: {  	v3 =	vld [tilespmem:s16+$0x2A10]  }
0xe6: {  	v0 =	vld [tilespmem:s16+$0x2A20];
	_ =	sdelay $0x1  }
0xe7: {  	[tilespmem:s16+$0xA30] =	vst.add.f32.msk $0xffff, v1  }
0xe8: {  	[tilespmem:s16+$0xA00] =	vst.add.f32.msk $0xffff, v2  }
0xe9: {  	s19 =	simm.s32 $0x200;
	s18 =	simm.s32 $0x40;
	[tilespmem:s16+$0xA10] =	vst.add.f32.msk $0xffff, v3  }
.LBB2_16:
0xea: {  	p0 =	sne.s32 s19, $0x7F00;
	v1 =	vld [tilespmem:s18+$0x2A30];
	v2 =	vmov v0  }
0xeb: {  	v3 =	vld [tilespmem:s18+$0x2A00]  }
0xec: {  	v4 =	vld [tilespmem:s18+$0x2A10]  }
.Ltmp7:
0xed: {  	v0 =	vld [tilespmem:s18+$0x2A20];
	(pc) =	sbr.rel @p0 .LBB2_16-.Ltmp7, $4  }
0xee: {  	[tilespmem:s16+$0xA20] =	vst.add.f32.msk $0xffff, v2;
	s16 =	smov.u32 s18  }
0xef: {  	[tilespmem:s16+$0xA30] =	vst.add.f32.msk $0xffff, v1  }
0xf0: {  	[tilespmem:s16+$0xA00] =	vst.add.f32.msk $0xffff, v3  }
0xf1: {  	s18 =	sshra.s32 s19, $0x2;
	s19 =	sadd.s32 $0x100, s19;
	[tilespmem:s16+$0xA10] =	vst.add.f32.msk $0xffff, v4  }
0xf2: {  	v1 =	vld [tilespmem:s18+$0x2A30]  }
0xf3: {  	v2 =	vld [tilespmem:s18+$0x2A00]  }
0xf4: {  	v3 =	vld [tilespmem:s18+$0x2A10]  }
0xf5: {  	v4 =	vld [tilespmem:s18+$0x2A20]  }
0xf6: {  	[tilespmem:s16+$0xA20] =	vst.add.f32.msk $0xffff, v0  }
0xf7: {  	[tilespmem:s18+$0xA30] =	vst.add.f32.msk $0xffff, v1  }
0xf8: {  	[tilespmem:s18+$0xA00] =	vst.add.f32.msk $0xffff, v2  }
0xf9: {  	[tilespmem:s18+$0xA10] =	vst.add.f32.msk $0xffff, v3  }
0xfa: {  	[tilespmem:s18+$0xA20] =	vst.add.f32.msk $0xffff, v4  }
0xfb: {  	[tilespmem:s14], [sflag:$0x2] =	stream.indirect.gather [hbm4b:s3+s7], $0x40, s24, s7, $0xb8;
	[tilespmem:$0x6A00] =	vst v63  }
0xfc: {  	_ =	swait.ge [sflag:s15], $0x2000  }
0xfd: {  	[sflag:s15] =	ssyncset.done $0x0  }
0xfe: {  	s16 =	simm.s32 $0x0;
	[sflag:s15] =	ssyncadd.s32 $0xFFFFE000  }
0xff: {  	v1 =	vld [tilespmem:s16+$0x4A30]  }
0x100: {  	v2 =	vld [tilespmem:s16+$0x4A00]  }
0x101: {  	v3 =	vld [tilespmem:s16+$0x4A10]  }
0x102: {  	v0 =	vld [tilespmem:s16+$0x4A20];
	_ =	sdelay $0x1  }
0x103: {  	[tilespmem:s16+$0xA30] =	vst.add.f32.msk $0xffff, v1  }
0x104: {  	[tilespmem:s16+$0xA00] =	vst.add.f32.msk $0xffff, v2  }
0x105: {  	s19 =	simm.s32 $0x200;
	s18 =	simm.s32 $0x40;
	[tilespmem:s16+$0xA10] =	vst.add.f32.msk $0xffff, v3  }
.LBB2_18:
0x106: {  	p0 =	sne.s32 s19, $0x7F00;
	v1 =	vld [tilespmem:s18+$0x4A30];
	v2 =	vmov v0  }
0x107: {  	v3 =	vld [tilespmem:s18+$0x4A00]  }
0x108: {  	v4 =	vld [tilespmem:s18+$0x4A10]  }
.Ltmp8:
0x109: {  	v0 =	vld [tilespmem:s18+$0x4A20];
	(pc) =	sbr.rel @p0 .LBB2_18-.Ltmp8, $4  }
0x10a: {  	[tilespmem:s16+$0xA20] =	vst.add.f32.msk $0xffff, v2;
	s16 =	smov.u32 s18  }
0x10b: {  	[tilespmem:s16+$0xA30] =	vst.add.f32.msk $0xffff, v1  }
0x10c: {  	[tilespmem:s16+$0xA00] =	vst.add.f32.msk $0xffff, v3  }
0x10d: {  	s18 =	sshra.s32 s19, $0x2;
	s19 =	sadd.s32 $0x100, s19;
	[tilespmem:s16+$0xA10] =	vst.add.f32.msk $0xffff, v4  }
0x10e: {  	v1 =	vld [tilespmem:s18+$0x4A30]  }
0x10f: {  	v2 =	vld [tilespmem:s18+$0x4A00]  }
0x110: {  	v3 =	vld [tilespmem:s18+$0x4A10]  }
0x111: {  	v4 =	vld [tilespmem:s18+$0x4A20]  }
0x112: {  	[tilespmem:s16+$0xA20] =	vst.add.f32.msk $0xffff, v0  }
0x113: {  	[tilespmem:s18+$0xA30] =	vst.add.f32.msk $0xffff, v1  }
0x114: {  	[tilespmem:s18+$0xA00] =	vst.add.f32.msk $0xffff, v2  }
0x115: {  	[tilespmem:s18+$0xA10] =	vst.add.f32.msk $0xffff, v3  }
0x116: {  	[tilespmem:s18+$0xA20] =	vst.add.f32.msk $0xffff, v4  }
0x117: {  	[tilespmem:s11], [sflag:$0x3] =	stream.indirect.gather [hbm4b:s3+s7], $0x40, s25, s7, $0xb8;
	[tilespmem:$0x6A00] =	vst v63  }
0x118: {  	_ =	swait.ge [sflag:s17], $0x2000  }
0x119: {  	[sflag:s17] =	ssyncset.done $0x0  }
0x11a: {  	s16 =	simm.s32 $0x0;
	[sflag:s17] =	ssyncadd.s32 $0xFFFFE000  }
0x11b: {  	v1 =	vld [tilespmem:s16+$0x2A30]  }
0x11c: {  	v2 =	vld [tilespmem:s16+$0x2A00]  }
0x11d: {  	v3 =	vld [tilespmem:s16+$0x2A10]  }
0x11e: {  	v0 =	vld [tilespmem:s16+$0x2A20];
	_ =	sdelay $0x1  }
0x11f: {  	[tilespmem:s16+$0xA30] =	vst.add.f32.msk $0xffff, v1  }
0x120: {  	[tilespmem:s16+$0xA00] =	vst.add.f32.msk $0xffff, v2  }
0x121: {  	s19 =	simm.s32 $0x200;
	s18 =	simm.s32 $0x40;
	[tilespmem:s16+$0xA10] =	vst.add.f32.msk $0xffff, v3  }
.LBB2_20:
0x122: {  	p0 =	sne.s32 s19, $0x7F00;
	v1 =	vld [tilespmem:s18+$0x2A30];
	v2 =	vmov v0  }
0x123: {  	v3 =	vld [tilespmem:s18+$0x2A00]  }
0x124: {  	v4 =	vld [tilespmem:s18+$0x2A10]  }
.Ltmp9:
0x125: {  	v0 =	vld [tilespmem:s18+$0x2A20];
	(pc) =	sbr.rel @p0 .LBB2_20-.Ltmp9, $4  }
0x126: {  	[tilespmem:s16+$0xA20] =	vst.add.f32.msk $0xffff, v2;
	s16 =	smov.u32 s18  }
0x127: {  	[tilespmem:s16+$0xA30] =	vst.add.f32.msk $0xffff, v1  }
0x128: {  	[tilespmem:s16+$0xA00] =	vst.add.f32.msk $0xffff, v3  }
0x129: {  	s18 =	sshra.s32 s19, $0x2;
	s19 =	sadd.s32 $0x100, s19;
	[tilespmem:s16+$0xA10] =	vst.add.f32.msk $0xffff, v4  }
0x12a: {  	v1 =	vld [tilespmem:s18+$0x2A30]  }
0x12b: {  	v2 =	vld [tilespmem:s18+$0x2A00]  }
0x12c: {  	v3 =	vld [tilespmem:s18+$0x2A10]  }
0x12d: {  	v4 =	vld [tilespmem:s18+$0x2A20]  }
0x12e: {  	[tilespmem:s16+$0xA20] =	vst.add.f32.msk $0xffff, v0  }
0x12f: {  	[tilespmem:s18+$0xA30] =	vst.add.f32.msk $0xffff, v1  }
0x130: {  	[tilespmem:s18+$0xA00] =	vst.add.f32.msk $0xffff, v2  }
0x131: {  	[tilespmem:s18+$0xA10] =	vst.add.f32.msk $0xffff, v3  }
0x132: {  	[tilespmem:s18+$0xA20] =	vst.add.f32.msk $0xffff, v4  }
0x133: {  	[tilespmem:s14], [sflag:$0x2] =	stream.indirect.gather [hbm4b:s3+s7], $0x40, s26, s7, $0xb8;
	[tilespmem:$0x6A00] =	vst v63  }
0x134: {  	_ =	swait.ge [sflag:s15], $0x2000  }
0x135: {  	[sflag:s15] =	ssyncset.done $0x0  }
0x136: {  	s16 =	simm.s32 $0x0;
	[sflag:s15] =	ssyncadd.s32 $0xFFFFE000  }
0x137: {  	v1 =	vld [tilespmem:s16+$0x4A30]  }
0x138: {  	v2 =	vld [tilespmem:s16+$0x4A00]  }
0x139: {  	v3 =	vld [tilespmem:s16+$0x4A10]  }
0x13a: {  	v0 =	vld [tilespmem:s16+$0x4A20];
	_ =	sdelay $0x1  }
0x13b: {  	[tilespmem:s16+$0xA30] =	vst.add.f32.msk $0xffff, v1  }
0x13c: {  	[tilespmem:s16+$0xA00] =	vst.add.f32.msk $0xffff, v2  }
0x13d: {  	s19 =	simm.s32 $0x200;
	s18 =	simm.s32 $0x40;
	[tilespmem:s16+$0xA10] =	vst.add.f32.msk $0xffff, v3  }
.LBB2_22:
0x13e: {  	p0 =	sne.s32 s19, $0x7F00;
	v1 =	vld [tilespmem:s18+$0x4A30];
	v2 =	vmov v0  }
0x13f: {  	v3 =	vld [tilespmem:s18+$0x4A00]  }
0x140: {  	v4 =	vld [tilespmem:s18+$0x4A10]  }
.Ltmp10:
0x141: {  	v0 =	vld [tilespmem:s18+$0x4A20];
	(pc) =	sbr.rel @p0 .LBB2_22-.Ltmp10, $4  }
0x142: {  	[tilespmem:s16+$0xA20] =	vst.add.f32.msk $0xffff, v2;
	s16 =	smov.u32 s18  }
0x143: {  	[tilespmem:s16+$0xA30] =	vst.add.f32.msk $0xffff, v1  }
0x144: {  	[tilespmem:s16+$0xA00] =	vst.add.f32.msk $0xffff, v3  }
0x145: {  	s18 =	sshra.s32 s19, $0x2;
	s19 =	sadd.s32 $0x100, s19;
	[tilespmem:s16+$0xA10] =	vst.add.f32.msk $0xffff, v4  }
0x146: {  	v1 =	vld [tilespmem:s18+$0x4A30]  }
0x147: {  	v2 =	vld [tilespmem:s18+$0x4A00]  }
0x148: {  	v3 =	vld [tilespmem:s18+$0x4A10]  }
0x149: {  	v4 =	vld [tilespmem:s18+$0x4A20]  }
0x14a: {  	[tilespmem:s16+$0xA20] =	vst.add.f32.msk $0xffff, v0  }
0x14b: {  	[tilespmem:s18+$0xA30] =	vst.add.f32.msk $0xffff, v1  }
0x14c: {  	[tilespmem:s18+$0xA00] =	vst.add.f32.msk $0xffff, v2  }
0x14d: {  	[tilespmem:s18+$0xA10] =	vst.add.f32.msk $0xffff, v3  }
0x14e: {  	[tilespmem:s18+$0xA20] =	vst.add.f32.msk $0xffff, v4  }
0x14f: {  	[tilespmem:s11], [sflag:$0x3] =	stream.indirect.gather [hbm4b:s3+s7], $0x40, s28, s7, $0xb8;
	[tilespmem:$0x6A00] =	vst v63  }
0x150: {  	_ =	swait.ge [sflag:s17], $0x2000  }
0x151: {  	[sflag:s17] =	ssyncset.done $0x0  }
0x152: {  	s16 =	simm.s32 $0x0;
	[sflag:s17] =	ssyncadd.s32 $0xFFFFE000  }
0x153: {  	v1 =	vld [tilespmem:s16+$0x2A30]  }
0x154: {  	v2 =	vld [tilespmem:s16+$0x2A00]  }
0x155: {  	v3 =	vld [tilespmem:s16+$0x2A10]  }
0x156: {  	v0 =	vld [tilespmem:s16+$0x2A20];
	_ =	sdelay $0x1  }
0x157: {  	[tilespmem:s16+$0xA30] =	vst.add.f32.msk $0xffff, v1  }
0x158: {  	[tilespmem:s16+$0xA00] =	vst.add.f32.msk $0xffff, v2  }
0x159: {  	s19 =	simm.s32 $0x200;
	s18 =	simm.s32 $0x40;
	[tilespmem:s16+$0xA10] =	vst.add.f32.msk $0xffff, v3  }
.LBB2_24:
0x15a: {  	p0 =	sne.s32 s19, $0x7F00;
	v1 =	vld [tilespmem:s18+$0x2A30];
	v2 =	vmov v0  }
0x15b: {  	v3 =	vld [tilespmem:s18+$0x2A00]  }
0x15c: {  	v4 =	vld [tilespmem:s18+$0x2A10]  }
.Ltmp11:
0x15d: {  	v0 =	vld [tilespmem:s18+$0x2A20];
	(pc) =	sbr.rel @p0 .LBB2_24-.Ltmp11, $4  }
0x15e: {  	[tilespmem:s16+$0xA20] =	vst.add.f32.msk $0xffff, v2;
	s16 =	smov.u32 s18  }
0x15f: {  	[tilespmem:s16+$0xA30] =	vst.add.f32.msk $0xffff, v1  }
0x160: {  	[tilespmem:s16+$0xA00] =	vst.add.f32.msk $0xffff, v3  }
0x161: {  	s18 =	sshra.s32 s19, $0x2;
	s19 =	sadd.s32 $0x100, s19;
	[tilespmem:s16+$0xA10] =	vst.add.f32.msk $0xffff, v4  }
0x162: {  	v1 =	vld [tilespmem:s18+$0x2A30]  }
0x163: {  	v2 =	vld [tilespmem:s18+$0x2A00]  }
0x164: {  	v3 =	vld [tilespmem:s18+$0x2A10]  }
0x165: {  	v4 =	vld [tilespmem:s18+$0x2A20]  }
0x166: {  	[tilespmem:s16+$0xA20] =	vst.add.f32.msk $0xffff, v0  }
0x167: {  	[tilespmem:s18+$0xA30] =	vst.add.f32.msk $0xffff, v1  }
0x168: {  	[tilespmem:s18+$0xA00] =	vst.add.f32.msk $0xffff, v2  }
0x169: {  	[tilespmem:s18+$0xA10] =	vst.add.f32.msk $0xffff, v3  }
0x16a: {  	[tilespmem:s18+$0xA20] =	vst.add.f32.msk $0xffff, v4  }
0x16b: {  	[tilespmem:s14], [sflag:$0x2] =	stream.indirect.gather [hbm4b:s3+s7], $0x40, s29, s7, $0xb8;
	[tilespmem:$0x6A00] =	vst v63  }
0x16c: {  	_ =	swait.ge [sflag:s15], $0x2000  }
0x16d: {  	[sflag:s15] =	ssyncset.done $0x0  }
0x16e: {  	s16 =	simm.s32 $0x0;
	[sflag:s15] =	ssyncadd.s32 $0xFFFFE000  }
0x16f: {  	v1 =	vld [tilespmem:s16+$0x4A30]  }
0x170: {  	v2 =	vld [tilespmem:s16+$0x4A00]  }
0x171: {  	v3 =	vld [tilespmem:s16+$0x4A10]  }
0x172: {  	v0 =	vld [tilespmem:s16+$0x4A20];
	_ =	sdelay $0x1  }
0x173: {  	[tilespmem:s16+$0xA30] =	vst.add.f32.msk $0xffff, v1  }
0x174: {  	[tilespmem:s16+$0xA00] =	vst.add.f32.msk $0xffff, v2  }
0x175: {  	s19 =	simm.s32 $0x200;
	s18 =	simm.s32 $0x40;
	[tilespmem:s16+$0xA10] =	vst.add.f32.msk $0xffff, v3  }
.LBB2_26:
0x176: {  	p0 =	sne.s32 s19, $0x7F00;
	v1 =	vld [tilespmem:s18+$0x4A30];
	v2 =	vmov v0  }
0x177: {  	v3 =	vld [tilespmem:s18+$0x4A00]  }
0x178: {  	v4 =	vld [tilespmem:s18+$0x4A10]  }
.Ltmp12:
0x179: {  	v0 =	vld [tilespmem:s18+$0x4A20];
	(pc) =	sbr.rel @p0 .LBB2_26-.Ltmp12, $4  }
0x17a: {  	[tilespmem:s16+$0xA20] =	vst.add.f32.msk $0xffff, v2;
	s16 =	smov.u32 s18  }
0x17b: {  	[tilespmem:s16+$0xA30] =	vst.add.f32.msk $0xffff, v1  }
0x17c: {  	[tilespmem:s16+$0xA00] =	vst.add.f32.msk $0xffff, v3  }
0x17d: {  	s18 =	sshra.s32 s19, $0x2;
	s19 =	sadd.s32 $0x100, s19;
	[tilespmem:s16+$0xA10] =	vst.add.f32.msk $0xffff, v4  }
0x17e: {  	v1 =	vld [tilespmem:s18+$0x4A30]  }
0x17f: {  	v2 =	vld [tilespmem:s18+$0x4A00]  }
0x180: {  	v3 =	vld [tilespmem:s18+$0x4A10]  }
0x181: {  	v4 =	vld [tilespmem:s18+$0x4A20]  }
0x182: {  	[tilespmem:s16+$0xA20] =	vst.add.f32.msk $0xffff, v0  }
0x183: {  	[tilespmem:s18+$0xA30] =	vst.add.f32.msk $0xffff, v1  }
0x184: {  	[tilespmem:s18+$0xA00] =	vst.add.f32.msk $0xffff, v2  }
0x185: {  	[tilespmem:s18+$0xA10] =	vst.add.f32.msk $0xffff, v3  }
0x186: {  	[tilespmem:s18+$0xA20] =	vst.add.f32.msk $0xffff, v4  }
0x187: {  	[tilespmem:s11], [sflag:$0x3] =	stream.indirect.gather [hbm4b:s3+s7], $0x40, s30, s7, $0xb8;
	[tilespmem:$0x6A00] =	vst v63  }
0x188: {  	_ =	swait.ge [sflag:s17], $0x2000  }
0x189: {  	[sflag:s17] =	ssyncset.done $0x0  }
0x18a: {  	s16 =	simm.s32 $0x0;
	[sflag:s17] =	ssyncadd.s32 $0xFFFFE000  }
0x18b: {  	v1 =	vld [tilespmem:s16+$0x2A30]  }
0x18c: {  	v2 =	vld [tilespmem:s16+$0x2A00]  }
0x18d: {  	v3 =	vld [tilespmem:s16+$0x2A10]  }
0x18e: {  	v0 =	vld [tilespmem:s16+$0x2A20];
	_ =	sdelay $0x1  }
0x18f: {  	[tilespmem:s16+$0xA30] =	vst.add.f32.msk $0xffff, v1  }
0x190: {  	[tilespmem:s16+$0xA00] =	vst.add.f32.msk $0xffff, v2  }
0x191: {  	s19 =	simm.s32 $0x200;
	s18 =	simm.s32 $0x40;
	[tilespmem:s16+$0xA10] =	vst.add.f32.msk $0xffff, v3  }
.LBB2_28:
0x192: {  	p0 =	sne.s32 s19, $0x7F00;
	v1 =	vld [tilespmem:s18+$0x2A30];
	v2 =	vmov v0  }
0x193: {  	v3 =	vld [tilespmem:s18+$0x2A00]  }
0x194: {  	v4 =	vld [tilespmem:s18+$0x2A10]  }
.Ltmp13:
0x195: {  	v0 =	vld [tilespmem:s18+$0x2A20];
	(pc) =	sbr.rel @p0 .LBB2_28-.Ltmp13, $4  }
0x196: {  	[tilespmem:s16+$0xA20] =	vst.add.f32.msk $0xffff, v2;
	s16 =	smov.u32 s18  }
0x197: {  	[tilespmem:s16+$0xA30] =	vst.add.f32.msk $0xffff, v1  }
0x198: {  	[tilespmem:s16+$0xA00] =	vst.add.f32.msk $0xffff, v3  }
0x199: {  	s18 =	sshra.s32 s19, $0x2;
	s19 =	sadd.s32 $0x100, s19;
	[tilespmem:s16+$0xA10] =	vst.add.f32.msk $0xffff, v4  }
0x19a: {  	v1 =	vld [tilespmem:s18+$0x2A30]  }
0x19b: {  	v2 =	vld [tilespmem:s18+$0x2A00]  }
0x19c: {  	v3 =	vld [tilespmem:s18+$0x2A10]  }
0x19d: {  	v4 =	vld [tilespmem:s18+$0x2A20]  }
0x19e: {  	[tilespmem:s16+$0xA20] =	vst.add.f32.msk $0xffff, v0  }
0x19f: {  	[tilespmem:s18+$0xA30] =	vst.add.f32.msk $0xffff, v1  }
0x1a0: {  	[tilespmem:s18+$0xA00] =	vst.add.f32.msk $0xffff, v2  }
0x1a1: {  	[tilespmem:s18+$0xA10] =	vst.add.f32.msk $0xffff, v3  }
0x1a2: {  	[tilespmem:s18+$0xA20] =	vst.add.f32.msk $0xffff, v4  }
0x1a3: {  	[tilespmem:s14], [sflag:$0x2] =	stream.indirect.gather [hbm4b:s3+s7], $0x40, s31, s7, $0xb8;
	[tilespmem:$0x6A00] =	vst v63  }
0x1a4: {  	_ =	swait.ge [sflag:s15], $0x2000  }
0x1a5: {  	[sflag:s15] =	ssyncset.done $0x0  }
0x1a6: {  	s16 =	simm.s32 $0x0;
	[sflag:s15] =	ssyncadd.s32 $0xFFFFE000  }
0x1a7: {  	v1 =	vld [tilespmem:s16+$0x4A30]  }
0x1a8: {  	v2 =	vld [tilespmem:s16+$0x4A00]  }
0x1a9: {  	v3 =	vld [tilespmem:s16+$0x4A10]  }
0x1aa: {  	v0 =	vld [tilespmem:s16+$0x4A20];
	_ =	sdelay $0x1  }
0x1ab: {  	[tilespmem:s16+$0xA30] =	vst.add.f32.msk $0xffff, v1  }
0x1ac: {  	[tilespmem:s16+$0xA00] =	vst.add.f32.msk $0xffff, v2  }
0x1ad: {  	s19 =	simm.s32 $0x200;
	s18 =	simm.s32 $0x40;
	[tilespmem:s16+$0xA10] =	vst.add.f32.msk $0xffff, v3  }
.LBB2_30:
0x1ae: {  	p0 =	sne.s32 s19, $0x7F00;
	v1 =	vld [tilespmem:s18+$0x4A30];
	v2 =	vmov v0  }
0x1af: {  	v3 =	vld [tilespmem:s18+$0x4A00]  }
0x1b0: {  	v4 =	vld [tilespmem:s18+$0x4A10]  }
.Ltmp14:
0x1b1: {  	v0 =	vld [tilespmem:s18+$0x4A20];
	(pc) =	sbr.rel @p0 .LBB2_30-.Ltmp14, $4  }
0x1b2: {  	[tilespmem:s16+$0xA20] =	vst.add.f32.msk $0xffff, v2;
	s16 =	smov.u32 s18  }
0x1b3: {  	[tilespmem:s16+$0xA30] =	vst.add.f32.msk $0xffff, v1  }
0x1b4: {  	[tilespmem:s16+$0xA00] =	vst.add.f32.msk $0xffff, v3  }
0x1b5: {  	s18 =	sshra.s32 s19, $0x2;
	s19 =	sadd.s32 $0x100, s19;
	[tilespmem:s16+$0xA10] =	vst.add.f32.msk $0xffff, v4  }
0x1b6: {  	v1 =	vld [tilespmem:s18+$0x4A30]  }
0x1b7: {  	v2 =	vld [tilespmem:s18+$0x4A00]  }
0x1b8: {  	v3 =	vld [tilespmem:s18+$0x4A10]  }
0x1b9: {  	v4 =	vld [tilespmem:s18+$0x4A20]  }
0x1ba: {  	[tilespmem:s16+$0xA20] =	vst.add.f32.msk $0xffff, v0  }
0x1bb: {  	[tilespmem:s18+$0xA30] =	vst.add.f32.msk $0xffff, v1  }
0x1bc: {  	[tilespmem:s18+$0xA00] =	vst.add.f32.msk $0xffff, v2  }
0x1bd: {  	[tilespmem:s18+$0xA10] =	vst.add.f32.msk $0xffff, v3  }
0x1be: {  	[tilespmem:s18+$0xA20] =	vst.add.f32.msk $0xffff, v4  }
0x1bf: {  	[tilespmem:s11], [sflag:$0x3] =	stream.indirect.gather [hbm4b:s3+s7], $0x40, s0, s7, $0xb8;
	[tilespmem:$0x6A00] =	vst v63  }
0x1c0: {  	_ =	swait.ge [sflag:s17], $0x2000  }
0x1c1: {  	[sflag:s17] =	ssyncset.done $0x0  }
0x1c2: {  	s16 =	simm.s32 $0x0;
	[sflag:s17] =	ssyncadd.s32 $0xFFFFE000  }
0x1c3: {  	v1 =	vld [tilespmem:s16+$0x2A30]  }
0x1c4: {  	v2 =	vld [tilespmem:s16+$0x2A00]  }
0x1c5: {  	v3 =	vld [tilespmem:s16+$0x2A10]  }
0x1c6: {  	v0 =	vld [tilespmem:s16+$0x2A20];
	_ =	sdelay $0x1  }
0x1c7: {  	[tilespmem:s16+$0xA30] =	vst.add.f32.msk $0xffff, v1  }
0x1c8: {  	[tilespmem:s16+$0xA00] =	vst.add.f32.msk $0xffff, v2  }
0x1c9: {  	s19 =	simm.s32 $0x200;
	s18 =	simm.s32 $0x40;
	[tilespmem:s16+$0xA10] =	vst.add.f32.msk $0xffff, v3  }
.LBB2_32:
0x1ca: {  	p0 =	sne.s32 s19, $0x7F00;
	v1 =	vld [tilespmem:s18+$0x2A30];
	v2 =	vmov v0  }
0x1cb: {  	v3 =	vld [tilespmem:s18+$0x2A00]  }
0x1cc: {  	v4 =	vld [tilespmem:s18+$0x2A10]  }
.Ltmp15:
0x1cd: {  	v0 =	vld [tilespmem:s18+$0x2A20];
	(pc) =	sbr.rel @p0 .LBB2_32-.Ltmp15, $4  }
0x1ce: {  	[tilespmem:s16+$0xA20] =	vst.add.f32.msk $0xffff, v2;
	s16 =	smov.u32 s18  }
0x1cf: {  	[tilespmem:s16+$0xA30] =	vst.add.f32.msk $0xffff, v1  }
0x1d0: {  	[tilespmem:s16+$0xA00] =	vst.add.f32.msk $0xffff, v3  }
0x1d1: {  	s18 =	sshra.s32 s19, $0x2;
	s19 =	sadd.s32 $0x100, s19;
	[tilespmem:s16+$0xA10] =	vst.add.f32.msk $0xffff, v4  }
0x1d2: {  	v1 =	vld [tilespmem:s18+$0x2A30]  }
0x1d3: {  	v2 =	vld [tilespmem:s18+$0x2A00]  }
0x1d4: {  	v3 =	vld [tilespmem:s18+$0x2A10]  }
0x1d5: {  	v4 =	vld [tilespmem:s18+$0x2A20]  }
0x1d6: {  	[tilespmem:s16+$0xA20] =	vst.add.f32.msk $0xffff, v0  }
0x1d7: {  	[tilespmem:s18+$0xA30] =	vst.add.f32.msk $0xffff, v1  }
0x1d8: {  	[tilespmem:s18+$0xA00] =	vst.add.f32.msk $0xffff, v2  }
0x1d9: {  	[tilespmem:s18+$0xA10] =	vst.add.f32.msk $0xffff, v3  }
0x1da: {  	[tilespmem:s18+$0xA20] =	vst.add.f32.msk $0xffff, v4  }
0x1db: {  	[tilespmem:s14], [sflag:$0x2] =	stream.indirect.gather [hbm4b:s3+s7], $0x40, s1, s7, $0xb8;
	[tilespmem:$0x6A00] =	vst v63  }
0x1dc: {  	_ =	swait.ge [sflag:s15], $0x2000  }
0x1dd: {  	[sflag:s15] =	ssyncset.done $0x0  }
0x1de: {  	s16 =	simm.s32 $0x0;
	[sflag:s15] =	ssyncadd.s32 $0xFFFFE000  }
0x1df: {  	v1 =	vld [tilespmem:s16+$0x4A30]  }
0x1e0: {  	v2 =	vld [tilespmem:s16+$0x4A00]  }
0x1e1: {  	v3 =	vld [tilespmem:s16+$0x4A10]  }
0x1e2: {  	v0 =	vld [tilespmem:s16+$0x4A20];
	_ =	sdelay $0x1  }
0x1e3: {  	[tilespmem:s16+$0xA30] =	vst.add.f32.msk $0xffff, v1  }
0x1e4: {  	[tilespmem:s16+$0xA00] =	vst.add.f32.msk $0xffff, v2  }
0x1e5: {  	s19 =	simm.s32 $0x200;
	s18 =	simm.s32 $0x40;
	[tilespmem:s16+$0xA10] =	vst.add.f32.msk $0xffff, v3  }
.LBB2_34:
0x1e6: {  	p0 =	sne.s32 s19, $0x7F00;
	v1 =	vld [tilespmem:s18+$0x4A30];
	v2 =	vmov v0  }
0x1e7: {  	v3 =	vld [tilespmem:s18+$0x4A00]  }
0x1e8: {  	v4 =	vld [tilespmem:s18+$0x4A10]  }
.Ltmp16:
0x1e9: {  	v0 =	vld [tilespmem:s18+$0x4A20];
	(pc) =	sbr.rel @p0 .LBB2_34-.Ltmp16, $4  }
0x1ea: {  	[tilespmem:s16+$0xA20] =	vst.add.f32.msk $0xffff, v2;
	s16 =	smov.u32 s18  }
0x1eb: {  	[tilespmem:s16+$0xA30] =	vst.add.f32.msk $0xffff, v1  }
0x1ec: {  	[tilespmem:s16+$0xA00] =	vst.add.f32.msk $0xffff, v3  }
0x1ed: {  	s18 =	sshra.s32 s19, $0x2;
	s19 =	sadd.s32 $0x100, s19;
	[tilespmem:s16+$0xA10] =	vst.add.f32.msk $0xffff, v4  }
0x1ee: {  	v1 =	vld [tilespmem:s18+$0x4A30]  }
0x1ef: {  	v2 =	vld [tilespmem:s18+$0x4A00]  }
0x1f0: {  	v3 =	vld [tilespmem:s18+$0x4A10]  }
0x1f1: {  	v4 =	vld [tilespmem:s18+$0x4A20]  }
0x1f2: {  	[tilespmem:s16+$0xA20] =	vst.add.f32.msk $0xffff, v0  }
0x1f3: {  	[tilespmem:s18+$0xA30] =	vst.add.f32.msk $0xffff, v1  }
0x1f4: {  	[tilespmem:s18+$0xA00] =	vst.add.f32.msk $0xffff, v2  }
0x1f5: {  	[tilespmem:s18+$0xA10] =	vst.add.f32.msk $0xffff, v3  }
0x1f6: {  	[tilespmem:s18+$0xA20] =	vst.add.f32.msk $0xffff, v4  }
0x1f7: {  	[tilespmem:s11], [sflag:$0x3] =	stream.indirect.gather [hbm4b:s3+s7], $0x40, s8, s7, $0xb8;
	[tilespmem:$0x6A00] =	vst v63  }
0x1f8: {  	_ =	swait.ge [sflag:s17], $0x2000  }
0x1f9: {  	[sflag:s17] =	ssyncset.done $0x0  }
0x1fa: {  	s16 =	simm.s32 $0x0;
	[sflag:s17] =	ssyncadd.s32 $0xFFFFE000  }
0x1fb: {  	v1 =	vld [tilespmem:s16+$0x2A30]  }
0x1fc: {  	v2 =	vld [tilespmem:s16+$0x2A00]  }
0x1fd: {  	v3 =	vld [tilespmem:s16+$0x2A10]  }
0x1fe: {  	v0 =	vld [tilespmem:s16+$0x2A20];
	_ =	sdelay $0x1  }
0x1ff: {  	[tilespmem:s16+$0xA30] =	vst.add.f32.msk $0xffff, v1  }
0x200: {  	[tilespmem:s16+$0xA00] =	vst.add.f32.msk $0xffff, v2  }
0x201: {  	s19 =	simm.s32 $0x200;
	s18 =	simm.s32 $0x40;
	[tilespmem:s16+$0xA10] =	vst.add.f32.msk $0xffff, v3  }
.LBB2_36:
0x202: {  	p0 =	sne.s32 s19, $0x7F00;
	v1 =	vld [tilespmem:s18+$0x2A30];
	v2 =	vmov v0  }
0x203: {  	v3 =	vld [tilespmem:s18+$0x2A00]  }
0x204: {  	v4 =	vld [tilespmem:s18+$0x2A10]  }
.Ltmp17:
0x205: {  	v0 =	vld [tilespmem:s18+$0x2A20];
	(pc) =	sbr.rel @p0 .LBB2_36-.Ltmp17, $4  }
0x206: {  	[tilespmem:s16+$0xA20] =	vst.add.f32.msk $0xffff, v2;
	s16 =	smov.u32 s18  }
0x207: {  	[tilespmem:s16+$0xA30] =	vst.add.f32.msk $0xffff, v1  }
0x208: {  	[tilespmem:s16+$0xA00] =	vst.add.f32.msk $0xffff, v3  }
0x209: {  	s18 =	sshra.s32 s19, $0x2;
	s19 =	sadd.s32 $0x100, s19;
	[tilespmem:s16+$0xA10] =	vst.add.f32.msk $0xffff, v4  }
0x20a: {  	v1 =	vld [tilespmem:s18+$0x2A30]  }
0x20b: {  	v2 =	vld [tilespmem:s18+$0x2A00]  }
0x20c: {  	v3 =	vld [tilespmem:s18+$0x2A10]  }
0x20d: {  	v4 =	vld [tilespmem:s18+$0x2A20]  }
0x20e: {  	[tilespmem:s16+$0xA20] =	vst.add.f32.msk $0xffff, v0  }
0x20f: {  	[tilespmem:s18+$0xA30] =	vst.add.f32.msk $0xffff, v1  }
0x210: {  	[tilespmem:s18+$0xA00] =	vst.add.f32.msk $0xffff, v2  }
0x211: {  	[tilespmem:s18+$0xA10] =	vst.add.f32.msk $0xffff, v3  }
0x212: {  	[tilespmem:s18+$0xA20] =	vst.add.f32.msk $0xffff, v4  }
0x213: {  	_ =	swait.ge [sflag:s15], $0x2000  }
0x214: {  	[sflag:s15] =	ssyncset.done $0x0  }
0x215: {  	s16 =	simm.s32 $0x0;
	[sflag:s15] =	ssyncadd.s32 $0xFFFFE000  }
0x216: {  	v1 =	vld [tilespmem:s16+$0x4A30]  }
0x217: {  	v2 =	vld [tilespmem:s16+$0x4A00]  }
0x218: {  	v3 =	vld [tilespmem:s16+$0x4A10]  }
0x219: {  	v0 =	vld [tilespmem:s16+$0x4A20];
	_ =	sdelay $0x1  }
0x21a: {  	[tilespmem:s16+$0xA30] =	vst.add.f32.msk $0xffff, v1  }
0x21b: {  	s19 =	simm.s32 $0x40;
	[tilespmem:s16+$0xA00] =	vst.add.f32.msk $0xffff, v2  }
0x21c: {  	s21 =	simm.s32 $0x200;
	s20 =	simm.s32 $0x0;
	s18 =	simm.s32 $0x100;
	[tilespmem:s16+$0xA10] =	vst.add.f32.msk $0xffff, v3  }
.LBB2_38:
0x21d: {  	p0 =	sne.s32 s21, $0x7F00;
	v1 =	vld [tilespmem:s19+$0x4A30];
	v2 =	vmov v0  }
0x21e: {  	v3 =	vld [tilespmem:s19+$0x4A00]  }
0x21f: {  	v4 =	vld [tilespmem:s19+$0x4A10]  }
.Ltmp18:
0x220: {  	v0 =	vld [tilespmem:s19+$0x4A20];
	(pc) =	sbr.rel @p0 .LBB2_38-.Ltmp18, $4  }
0x221: {  	[tilespmem:s20+$0xA20] =	vst.add.f32.msk $0xffff, v2;
	s20 =	smov.u32 s19  }
0x222: {  	[tilespmem:s20+$0xA30] =	vst.add.f32.msk $0xffff, v1  }
0x223: {  	[tilespmem:s20+$0xA00] =	vst.add.f32.msk $0xffff, v3  }
0x224: {  	s19 =	sshra.s32 s21, $0x2;
	s21 =	sadd.s32 $0x100, s21;
	[tilespmem:s20+$0xA10] =	vst.add.f32.msk $0xffff, v4  }
0x225: {  	v1 =	vld [tilespmem:s19+$0x4A30]  }
0x226: {  	v2 =	vld [tilespmem:s19+$0x4A00]  }
0x227: {  	v3 =	vld [tilespmem:s19+$0x4A10]  }
0x228: {  	v4 =	vld [tilespmem:s19+$0x4A20]  }
0x229: {  	[tilespmem:s20+$0xA20] =	vst.add.f32.msk $0xffff, v0  }
0x22a: {  	[tilespmem:s19+$0xA30] =	vst.add.f32.msk $0xffff, v1  }
0x22b: {  	[tilespmem:s19+$0xA00] =	vst.add.f32.msk $0xffff, v2  }
0x22c: {  	[tilespmem:s19+$0xA10] =	vst.add.f32.msk $0xffff, v3  }
0x22d: {  	[tilespmem:s19+$0xA20] =	vst.add.f32.msk $0xffff, v4  }
0x22e: {  	v0 =	vld [tilespmem:s16+$0xA00]  }
0x22f: {  	v2 =	vld [tilespmem:s16+$0xA10]  }
0x230: {  	v1 =	vld [tilespmem:s16+$0xA20]  }
.LBB2_40:
0x231: {  	p0 =	sne.s32 s18, $0x7F00;
	v3 =	vld [tilespmem:s16+$0xA30];
	_ =	sdelay $0x1  }
0x232: {  	v0 =	vmul.f32 $5.000000070e-02, v0  }
.Ltmp19:
0x233: {  	v2 =	vmul.f32 $5.000000070e-02, v2;
	(pc) =	sbr.rel @p0 .LBB2_40-.Ltmp19, $4  }
0x234: {  	s19 =	sshra.s32 s18, $0x2;
	[tilespmem:s16+$0xA00] =	vst v0;
	v1 =	vmul.f32 $5.000000070e-02, v1  }
0x235: {  	v0 =	vld [tilespmem:s19+$0xA00];
	[tilespmem:s16+$0xA10] =	vst v2;
	v3 =	vmul.f32 $5.000000070e-02, v3  }
0x236: {  	v2 =	vld [tilespmem:s19+$0xA10];
	[tilespmem:s16+$0xA20] =	vst v1  }
0x237: {  	s18 =	sadd.s32 $0x100, s18;
	v1 =	vld [tilespmem:s19+$0xA20];
	[tilespmem:s16+$0xA30] =	vst v3;
	s16 =	smov.u32 s19  }
0x238: {  	v3 =	vld [tilespmem:s16+$0xA30];
	_ =	sdelay $0x1  }
0x239: {  	v0 =	vmul.f32 $5.000000070e-02, v0  }
0x23a: {  	v2 =	vmul.f32 $5.000000070e-02, v2  }
0x23b: {  	[tilespmem:s16+$0xA00] =	vst v0;
	v62 =	vmul.f32 $5.000000070e-02, v1  }
0x23c: {  	s13 =	sadd.s32 $0x1, s13;
	[tilespmem:s16+$0xA10] =	vst v2;
	v63 =	vmul.f32 $5.000000070e-02, v3  }
0x23d: {  	p0 =	sne.s32 s13, s6;
	[tilespmem:s16+$0xA20] =	vst v62  }
.Ltmp20:
0x23e: {  	[tilespmem:s16+$0xA30] =	vst v63;
	(pc) =	sbr.rel @p0 .LBB2_1-.Ltmp20, $4  }
0x23f: {  	[hbm4b:s5+s2] =	stream.linear.scatter [tilespmem:s10], [sflag:$0x4], $0x2000, $0x38;
	[tilespmem:$0x6A00] =	vst v63  }
0x240: {  	_ =	swait.ge [sflag:s9], $0x2000  }
0x241: {  	[sflag:s9] =	ssyncset.done $0x0  }
0x242: {  	[sflag:s9] =	ssyncadd.s32 $0xFFFFE000  }
0x243: {  	_ =	sfence.sel $0x180000  }
0x244: {  	[bflag:$0x0] =	sbarrier.arrive $0xFFFF  }
0x245: {  	_ =	strace $0x90000047  }
0x246: {  	s0 =	stileid.u32;
	[bflag:$0x2] =	sbarrier.arrive $0xFFFF  }
0x247: {  	p0 =	sne.s32 s0, $0x0;
	s0 =	rddreg [dreg:$0x2]  }
0x248: {  	s0 =	sadd.s32 @!p0 $0x100000, s0  }
0x249: {  	[sflag:s0] =	ssyncadd.tile.s32 @!p0 $0x1;
	_ =	shalt  }
.Lfunc_end2:
_tile_overlayer_lowered:
.L_overlay_start_2:
0x24a: {  	(tag) =	ssettag $0x2  }
0x24b: {  	s0 =	rddreg [dreg:$0x0];
	s2 =	stileid.u32  }
0x24c: {  	s1 =	rddreg [dreg:$0x1];
	p0 =	sne.s32 s2, $0x0  }
0x24d: {  	s3 =	rddreg [dreg:$0x2];
	[bflag:$0x3] =	sbarrier.arrive $0xFFFF;
	s2 =	simm.s32 @!p0 $0x1C04  }
0x24e: {  	[timem:s3], [sflag:s2] =	dma.local @!p0 [hbm:s0], s1  }
0x24f: {  	s0 =	simm.s32 @!p0 $0x4  }
0x250: {  	_ =	swait.ge @!p0 [sflag:s0], s1  }
0x251: {  	s1 =	ssub.s32 @!p0 $0x0, s1;
	[sflag:s0] =	ssyncset.done @!p0 $0x0  }
0x252: {  	[sflag:s0] =	ssyncadd.s32 @!p0 s1  }
0x253: {  	[bflag:$0x3] =	sbarrier.arrive $0xFFFF  }
0x254: {  	_ =	shalt  }

</sc_bundles>
